<compile_context>
chip_gen: v7x
topology: tpu7x:2x2x1
jax: 0.10.2.dev20260603
libtpu: 0.0.44.dev20260713+nightly
codegen_flags: <defaults>
</compile_context>

<pallas_src>
import jax
import jax.numpy as jnp
from jax import lax
from jax.experimental import pallas as pl
from jax.experimental.pallas import tpu as pltpu
from jax.experimental.pallas import tpu_sc as plsc

K = 8192
D = 64
N = 16384
BETA = 0.25

TM = 1024
TK = 8192
_LANES = 128
_NSL = TK // _LANES
_NB = N // TM
_CPB = K // _NB


def _scan_body(z_ref, cb_ref, pw_ref, pb_ref, idx_ref, loss_ref, qc_ref,
               qcm2_ref, qcsqb_ref, acc_ref):
    i = pl.program_id(0)
    zb = z_ref[...]

    @pl.when(i == 0)
    def _():
        qc = lax.dot_general(
            cb_ref[...], pw_ref[...],
            dimension_numbers=(((1,), (1,)), ((), ())),
            preferred_element_type=jnp.float32,
            precision=lax.Precision.DEFAULT,
        ) + pb_ref[...]
        qc_ref[...] = qc
        qcm2_ref[...] = -2.0 * qc
        qcsq = jnp.sum(qc * qc, axis=1)
        qcsqb_ref[...] = jnp.broadcast_to(
            qcsq.reshape(K // _LANES, 1, _LANES), (K // _LANES, 8, _LANES))

    zsq = jnp.sum(zb * zb, axis=1)
    zs = jnp.broadcast_to(zsq[:, None], (TM, _LANES))
    s2 = lax.dot_general(
        zb, qcm2_ref[...],
        dimension_numbers=(((1,), (1,)), ((), ())),
        preferred_element_type=jnp.float32,
        precision=lax.Precision.DEFAULT,
    )
    ds = []
    for k in range(_NSL):
        qk = jnp.broadcast_to(qcsqb_ref[k][None], (TM // 8, 8, _LANES)).reshape(TM, _LANES)
        ds.append(((zs + qk) + s2[:, k * _LANES:(k + 1) * _LANES], k))
    while len(ds) > 1:
        nxt = []
        for a in range(0, len(ds), 2):
            (d0, c0), (d1, c1) = ds[a], ds[a + 1]
            lt = d1 < d0
            if isinstance(c0, int):
                cw = jnp.where(lt, jnp.int32(c1), jnp.int32(c0))
            else:
                cw = jnp.where(lt, c1, c0)
            nxt.append((jnp.minimum(d0, d1), cw))
        ds = nxt
    dw, cw = ds[0]
    m = jnp.min(dw, axis=1)
    lane = lax.broadcasted_iota(jnp.int32, (TM, _LANES), 1)
    glob = cw * _LANES + lane
    masked = jnp.where(dw == m[:, None], glob, jnp.int32(2**30))
    idx_ref[...] = jnp.min(masked, axis=1)
    blk = jnp.sum(m)

    @pl.when(i == 0)
    def _():
        acc_ref[0] = blk

    @pl.when(i > 0)
    def _():
        acc_ref[0] = acc_ref[0] + blk

    @pl.when(i == _NB - 1)
    def _():
        loss_ref[0, 0] = (1.0 + BETA) * acc_ref[0] / jnp.float32(N * D)


def _argmin(zf, codebook, proj_w, proj_b):
    return pl.pallas_call(
        _scan_body,
        grid=(_NB,),
        in_specs=[
            pl.BlockSpec((TM, D), lambda i: (i, 0)),
            pl.BlockSpec((K, D), lambda i: (0, 0)),
            pl.BlockSpec((D, D), lambda i: (0, 0)),
            pl.BlockSpec((1, D), lambda i: (0, 0)),
        ],
        out_specs=(
            pl.BlockSpec((TM,), lambda i: (i,)),
            pl.BlockSpec((1, 1), lambda i: (0, 0), memory_space=pltpu.SMEM),
            pl.BlockSpec((K, D), lambda i: (0, 0)),
        ),
        out_shape=(
            jax.ShapeDtypeStruct((N,), jnp.int32),
            jax.ShapeDtypeStruct((1, 1), jnp.float32),
            jax.ShapeDtypeStruct((K, D), jnp.float32),
        ),
        scratch_shapes=[
            pltpu.VMEM((K, D), jnp.float32),
            pltpu.VMEM((K // _LANES, 8, _LANES), jnp.float32),
            pltpu.SMEM((1,), jnp.float32),
        ],
        compiler_params=pltpu.CompilerParams(
            dimension_semantics=("arbitrary",),
        ),
    )(zf, codebook, proj_w, proj_b.reshape(1, D))



_SC_NC = 2
_SC_NS = 16
_BPW = N // (_SC_NC * _SC_NS)
_KPS = K // _SC_NS


def _sc_body(qc_hbm, idx_hbm, zq_hbm, cnt_hbm,
             idx_v, rows_v, stage_v, ones_v, cnt_sh, sem):
    c = lax.axis_index("c")
    s = lax.axis_index("s")
    wid = c * _SC_NS + s
    base = wid * _BPW

    pltpu.sync_copy(idx_hbm.at[pl.ds(base, _BPW)], idx_v)
    pltpu.async_copy(qc_hbm.at[idx_v], rows_v, sem).wait()
    pltpu.sync_copy(rows_v, zq_hbm.at[pl.ds(base, _BPW)])

    def fill(i, _):
        ones_v[pl.ds(i * 16, 16)] = jnp.full((16,), 1, jnp.int32)
        stage_v[pl.ds(i * 16, 16)] = jnp.full((16,), 0, jnp.int32)
        return 0

    lax.fori_loop(0, _BPW // 16, fill, 0)

    pltpu.sync_copy(stage_v, cnt_sh.at[pl.ds(s * _KPS, _KPS)])
    plsc.subcore_barrier()
    pltpu.sync_copy(ones_v, cnt_sh.at[idx_v], add=True)
    plsc.subcore_barrier()

    pltpu.sync_copy(cnt_sh.at[pl.ds(s * _KPS, _KPS)], stage_v)
    pltpu.sync_copy(stage_v, cnt_hbm.at[c, pl.ds(s * _KPS, _KPS)])


def _gather_counts(qc, idx):
    mesh = plsc.VectorSubcoreMesh(core_axis_name="c", subcore_axis_name="s")
    f = pl.kernel(
        _sc_body,
        out_type=(
            jax.ShapeDtypeStruct((N, D), jnp.float32),
            jax.ShapeDtypeStruct((_SC_NC, K), jnp.int32),
        ),
        mesh=mesh,
        scratch_types=[
            pltpu.VMEM((_BPW,), jnp.int32),
            pltpu.VMEM((_BPW, D), jnp.float32),
            pltpu.VMEM((_KPS,), jnp.int32),
            pltpu.VMEM((_BPW,), jnp.int32),
            pltpu.VMEM_SHARED((K,), jnp.int32),
            pltpu.SemaphoreType.DMA,
        ],
        compiler_params=pltpu.CompilerParams(use_tc_tiling_on_sc=False),
    )
    return f(qc, idx)


def _perp_body(cnt_ref, perp_ref):
    counts = cnt_ref[0:K] + cnt_ref[K:2 * K]
    e = counts.astype(jnp.float32) * jnp.float32(1.0 / N)
    ent = jnp.sum(e * jnp.log(e + 1e-8))
    perp_ref[0, 0] = jnp.exp(-ent)


def _perplexity(cnt):
    return pl.pallas_call(
        _perp_body,
        in_specs=[pl.BlockSpec(memory_space=pltpu.VMEM)],
        out_specs=pl.BlockSpec(memory_space=pltpu.SMEM),
        out_shape=jax.ShapeDtypeStruct((1, 1), jnp.float32),
    )(cnt)


def kernel(z, codebook, proj_w, proj_b):
    zf = z.reshape(-1, D)
    idx, loss, qc = _argmin(zf, codebook, proj_w, proj_b)
    zq, cnt = _gather_counts(qc, idx)
    perp = _perplexity(cnt.reshape(-1))
    return zq.reshape(z.shape), loss[0, 0], perp[0, 0]

# --- scband reference (transcript-rebuilt; emitter-appended) ---
"""Pipeline reference for scband-sim-vq-1657857376701 (READ-ONLY COPY).

The authoritative reference and input builder live on the scoring server;
editing this copy changes nothing except your own understanding.
"""

import jax, jax.numpy as jnp
import numpy as np

K = 8192
D = 64
BETA = 0.25

def setup_inputs(seed: int = 0) -> dict:
    key = jax.random.key(seed)
    k1, k2, k3, k4 = jax.random.split(key, 4)
    z = jax.random.normal(k1, (16, 1024, D), dtype=jnp.float32)
    # nn.Embedding init: normal(0, D**-0.5), frozen
    codebook = jax.random.normal(k2, (K, D), dtype=jnp.float32) * (D ** -0.5)
    # nn.Linear default init: uniform(-1/sqrt(in), 1/sqrt(in))
    lim = D ** -0.5
    proj_w = jax.random.uniform(k3, (D, D), minval=-lim, maxval=lim, dtype=jnp.float32)
    proj_b = jax.random.uniform(k4, (D,), minval=-lim, maxval=lim, dtype=jnp.float32)
    return {"z": z, "codebook": codebook, "proj_w": proj_w, "proj_b": proj_b}

def reference(z, codebook, proj_w, proj_b):
    beta = BETA
    k = codebook.shape[0]
    zf = z.reshape(-1, z.shape[-1])
    # embedding_proj applied to frozen codebook
    quant_codebook = zf.dtype.type(0) + (codebook @ proj_w.T + proj_b)
    d = (jnp.sum(zf ** 2, axis=1, keepdims=True)
         + jnp.sum(quant_codebook ** 2, axis=1)
         - 2.0 * (zf @ quant_codebook.T))
    min_encoding_indices = jnp.argmin(d, axis=1)
    z_q = jnp.take(quant_codebook, min_encoding_indices, axis=0).reshape(z.shape)
    codebook_counts = jnp.bincount(min_encoding_indices, minlength=k, length=k)
    e_mean = codebook_counts.astype(jnp.float32) / min_encoding_indices.shape[0]
    perplexity = jnp.exp(-jnp.sum(e_mean * jnp.log(e_mean + 1e-8)))
    commit_loss = (beta * jnp.mean((jax.lax.stop_gradient(z_q) - z) ** 2)
                   + jnp.mean((z_q - jax.lax.stop_gradient(z)) ** 2))
    z_q_st = z + jax.lax.stop_gradient(z_q - z)
    return (z_q_st, commit_loss, perplexity)

if __name__ == "__main__":
    import jax
    _d = setup_inputs()
    print(jax.jit(kernel)(*tuple(_d.values())))

</pallas_src>

<mosaic_0001>
#map = affine_map<(d0, d1) -> (0, 0)>
#map1 = affine_map<(d0, d1) -> (0)>
module attributes {stable_mosaic.version = 14 : i64} {
  func.func @_sc_body(%arg0: i32, %arg1: i32, %arg2: memref<8192x64xf32, #tpu.memory_space<hbm>>, %arg3: memref<16384xi32, #tpu.memory_space<hbm>>, %arg4: memref<16384x64xf32, #tpu.memory_space<hbm>>, %arg5: memref<2x8192xi32, #tpu.memory_space<hbm>>, %arg6: memref<512xi32, #tpu.memory_space<vmem>>, %arg7: memref<512x64xf32, #tpu.memory_space<vmem>>, %arg8: memref<512xi32, #tpu.memory_space<vmem>>, %arg9: memref<512xi32, #tpu.memory_space<vmem>>, %arg10: memref<8192xi32, #tpu.memory_space<vmem_shared>>, %arg11: memref<!tpu.dma_semaphore, #tpu.memory_space<semaphore_mem>>) attributes {dimension_semantics = [#tpu.dimension_semantics<core_parallel>, #tpu.dimension_semantics<subcore_parallel>], iteration_bounds = array<i64: 2, 16>, scalar_prefetch = 0 : i64, scratch_operands = 6 : i64, tpu.core_type = #tpu.core_type<sc_vector_subcore>, window_params = [{transform_indices = #map}, {transform_indices = #map1}, {transform_indices = #map}, {transform_indices = #map}]} {
    %mul3A = arith.constant 16 : i32
    %mul3A_0 = arith.muli %arg0, %mul3A : i32
    %add3A = arith.addi %mul3A_0, %arg1 : i32
    %mul3A_1 = arith.constant 512 : i32
    %mul3A_2 = arith.muli %add3A, %mul3A_1 : i32
    "tpu.region"() ({
      %run_scoped3A = tpu.sem_alloc : memref<!tpu.dma_semaphore, #tpu.memory_space<semaphore_mem>>
      %dma_start3A_20 = tpu.memref_slice %arg3[%mul3A_2] : memref<16384xi32, #tpu.memory_space<hbm>> -> memref<512xi32, #tpu.memory_space<hbm>>
      %dma_start3A_21 = tpu.memref_slice %arg3[%mul3A_2] : memref<16384xi32, #tpu.memory_space<hbm>> -> memref<512xi32, #tpu.memory_space<hbm>>
      tpu.enqueue_dma source(%dma_start3A_21 : memref<512xi32, #tpu.memory_space<hbm>>) target(%arg6 : memref<512xi32, #tpu.memory_space<vmem>>) target_semaphore(%run_scoped3A : memref<!tpu.dma_semaphore, #tpu.memory_space<semaphore_mem>>)
      %dma_wait3A_22 = tpu.memref_slice %arg3[%mul3A_2] : memref<16384xi32, #tpu.memory_space<hbm>> -> memref<512xi32, #tpu.memory_space<hbm>>
      %dma_wait3A_23 = tpu.memref_slice %arg3[%mul3A_2] : memref<16384xi32, #tpu.memory_space<hbm>> -> memref<512xi32, #tpu.memory_space<hbm>>
      tpu.wait_dma2 semaphore(%run_scoped3A : memref<!tpu.dma_semaphore, #tpu.memory_space<semaphore_mem>>) src(%dma_wait3A_23 : memref<512xi32, #tpu.memory_space<hbm>>) dst(%arg6 : memref<512xi32, #tpu.memory_space<vmem>>)
      tpu.yield
    }) : () -> ()
    %dma_start3A = arith.constant 0 : i32
    %dma_start3A_3 = arith.constant 0 : i32
    %dma_start3A_4 = tpu.memref_slice %arg2[%dma_start3A, %dma_start3A_3] : memref<8192x64xf32, #tpu.memory_space<hbm>> -> memref<8192x64xf32, #tpu.memory_space<hbm>>
    tpu.enqueue_indirect_dma source(%dma_start3A_4 : memref<8192x64xf32, #tpu.memory_space<hbm>>) target(%arg7 : memref<512x64xf32, #tpu.memory_space<vmem>>) offsets(%arg6 : memref<512xi32, #tpu.memory_space<vmem>>) semaphore(%arg11 : memref<!tpu.dma_semaphore, #tpu.memory_space<semaphore_mem>>)
    %dma_wait3A = arith.constant 0 : i32
    %dma_wait3A_5 = arith.constant 0 : i32
    %dma_wait3A_6 = tpu.memref_slice %arg2[%dma_wait3A, %dma_wait3A_5] : memref<8192x64xf32, #tpu.memory_space<hbm>> -> memref<8192x64xf32, #tpu.memory_space<hbm>>
    tpu.wait_indirect_dma semaphore(%arg11 : memref<!tpu.dma_semaphore, #tpu.memory_space<semaphore_mem>>) src(%dma_wait3A_6 : memref<8192x64xf32, #tpu.memory_space<hbm>>) dst(%arg7 : memref<512x64xf32, #tpu.memory_space<vmem>>)
    "tpu.region"() ({
      %run_scoped3A = tpu.sem_alloc : memref<!tpu.dma_semaphore, #tpu.memory_space<semaphore_mem>>
      %dma_start3A_20 = arith.constant 0 : i32
      %dma_start3A_21 = tpu.memref_slice %arg4[%mul3A_2, %dma_start3A_20] : memref<16384x64xf32, #tpu.memory_space<hbm>> -> memref<512x64xf32, #tpu.memory_space<hbm>>
      %dma_start3A_22 = arith.constant 0 : i32
      %dma_start3A_23 = tpu.memref_slice %arg4[%mul3A_2, %dma_start3A_22] : memref<16384x64xf32, #tpu.memory_space<hbm>> -> memref<512x64xf32, #tpu.memory_space<hbm>>
      tpu.enqueue_dma source(%arg7 : memref<512x64xf32, #tpu.memory_space<vmem>>) target(%dma_start3A_23 : memref<512x64xf32, #tpu.memory_space<hbm>>) target_semaphore(%run_scoped3A : memref<!tpu.dma_semaphore, #tpu.memory_space<semaphore_mem>>)
      %dma_wait3A_24 = arith.constant 0 : i32
      %dma_wait3A_25 = tpu.memref_slice %arg4[%mul3A_2, %dma_wait3A_24] : memref<16384x64xf32, #tpu.memory_space<hbm>> -> memref<512x64xf32, #tpu.memory_space<hbm>>
      %dma_wait3A_26 = arith.constant 0 : i32
      %dma_wait3A_27 = tpu.memref_slice %arg4[%mul3A_2, %dma_wait3A_26] : memref<16384x64xf32, #tpu.memory_space<hbm>> -> memref<512x64xf32, #tpu.memory_space<hbm>>
      tpu.wait_dma2 semaphore(%run_scoped3A : memref<!tpu.dma_semaphore, #tpu.memory_space<semaphore_mem>>) src(%arg7 : memref<512x64xf32, #tpu.memory_space<vmem>>) dst(%dma_wait3A_27 : memref<512x64xf32, #tpu.memory_space<hbm>>)
      tpu.yield
    }) : () -> ()
    %scan3A = arith.constant 0 : i32
    %scan3A_7 = arith.constant 0 : i32
    %scan3A_8 = arith.constant 32 : i32
    %scan3A_9 = arith.addi %scan3A_7, %scan3A_8 : i32
    %scan3A_10 = arith.constant 1 : i32
    %scan3A_11 = scf.for %scan3A_20 = %scan3A_7 to %scan3A_9 step %scan3A_10 iter_args(%scan3A_21 = %scan3A) -> (i32)  : i32 {
      %broadcast_in_dim3A = arith.constant 1 : i32
      %broadcast_in_dim3A_22 = vector.broadcast %broadcast_in_dim3A : i32 to vector<16xi32>
      %mul3A_23 = arith.constant 16 : i32
      %mul3A_24 = arith.muli %scan3A_20, %mul3A_23 : i32
      %swap3A = arith.index_cast %mul3A_24 : i32 to index
      %swap3A_25 = tpu.vector_load %arg9[%swap3A] {strides = array<i32>} : memref<512xi32, #tpu.memory_space<vmem>>, vector<16xi32>,
      %swap3A_26 = vector.shape_cast %swap3A_25 : vector<16xi32> to vector<16xi32>
      %swap3A_27 = vector.shape_cast %broadcast_in_dim3A_22 : vector<16xi32> to vector<16xi32>
      tpu.vector_store %arg9[%swap3A], %swap3A_27 {strides = array<i32>} : memref<512xi32, #tpu.memory_space<vmem>>, vector<16xi32>,
      %broadcast_in_dim3A_28 = arith.constant 0 : i32
      %broadcast_in_dim3A_29 = vector.broadcast %broadcast_in_dim3A_28 : i32 to vector<16xi32>
      %mul3A_30 = arith.constant 16 : i32
      %mul3A_31 = arith.muli %scan3A_20, %mul3A_30 : i32
      %swap3A_32 = arith.index_cast %mul3A_31 : i32 to index
      %swap3A_33 = tpu.vector_load %arg8[%swap3A_32] {strides = array<i32>} : memref<512xi32, #tpu.memory_space<vmem>>, vector<16xi32>,
      %swap3A_34 = vector.shape_cast %swap3A_33 : vector<16xi32> to vector<16xi32>
      %swap3A_35 = vector.shape_cast %broadcast_in_dim3A_29 : vector<16xi32> to vector<16xi32>
      tpu.vector_store %arg8[%swap3A_32], %swap3A_35 {strides = array<i32>} : memref<512xi32, #tpu.memory_space<vmem>>, vector<16xi32>,
      %scan3A_36 = arith.constant 0 : i32
      scf.yield %scan3A_36 : i32
    }
    %scan3A_12 = arith.constant 32 : i32
    %mul3A_13 = arith.constant 512 : i32
    %mul3A_14 = arith.muli %arg1, %mul3A_13 : i32
    "tpu.region"() ({
      %run_scoped3A = tpu.sem_alloc : memref<!tpu.dma_semaphore, #tpu.memory_space<semaphore_mem>>
      %dma_start3A_20 = tpu.memref_slice %arg10[%mul3A_14] : memref<8192xi32, #tpu.memory_space<vmem_shared>> -> memref<512xi32, #tpu.memory_space<vmem_shared>>
      %dma_start3A_21 = tpu.memref_slice %arg10[%mul3A_14] : memref<8192xi32, #tpu.memory_space<vmem_shared>> -> memref<512xi32, #tpu.memory_space<vmem_shared>>
      tpu.enqueue_dma source(%arg8 : memref<512xi32, #tpu.memory_space<vmem>>) target(%dma_start3A_21 : memref<512xi32, #tpu.memory_space<vmem_shared>>) target_semaphore(%run_scoped3A : memref<!tpu.dma_semaphore, #tpu.memory_space<semaphore_mem>>)
      %dma_wait3A_22 = tpu.memref_slice %arg10[%mul3A_14] : memref<8192xi32, #tpu.memory_space<vmem_shared>> -> memref<512xi32, #tpu.memory_space<vmem_shared>>
      %dma_wait3A_23 = tpu.memref_slice %arg10[%mul3A_14] : memref<8192xi32, #tpu.memory_space<vmem_shared>> -> memref<512xi32, #tpu.memory_space<vmem_shared>>
      tpu.wait_dma2 semaphore(%run_scoped3A : memref<!tpu.dma_semaphore, #tpu.memory_space<semaphore_mem>>) src(%arg8 : memref<512xi32, #tpu.memory_space<vmem>>) dst(%dma_wait3A_23 : memref<512xi32, #tpu.memory_space<vmem_shared>>)
      tpu.yield
    }) : () -> ()
    %barrier3A = arith.constant 0 : index
    tpu.barrier barrier_id(%barrier3A)
    "tpu.region"() ({
      %run_scoped3A = tpu.sem_alloc : memref<!tpu.dma_semaphore, #tpu.memory_space<semaphore_mem>>
      %dma_start3A_20 = arith.constant 0 : i32
      %dma_start3A_21 = tpu.memref_slice %arg10[%dma_start3A_20] : memref<8192xi32, #tpu.memory_space<vmem_shared>> -> memref<8192xi32, #tpu.memory_space<vmem_shared>>
      tpu.enqueue_indirect_dma source(%arg9 : memref<512xi32, #tpu.memory_space<vmem>>) target(%dma_start3A_21 : memref<8192xi32, #tpu.memory_space<vmem_shared>>) offsets(%arg6 : memref<512xi32, #tpu.memory_space<vmem>>) semaphore(%run_scoped3A : memref<!tpu.dma_semaphore, #tpu.memory_space<semaphore_mem>>) {add = true}
      %dma_wait3A_22 = arith.constant 0 : i32
      %dma_wait3A_23 = tpu.memref_slice %arg10[%dma_wait3A_22] : memref<8192xi32, #tpu.memory_space<vmem_shared>> -> memref<8192xi32, #tpu.memory_space<vmem_shared>>
      tpu.wait_indirect_dma semaphore(%run_scoped3A : memref<!tpu.dma_semaphore, #tpu.memory_space<semaphore_mem>>) src(%arg9 : memref<512xi32, #tpu.memory_space<vmem>>) dst(%dma_wait3A_23 : memref<8192xi32, #tpu.memory_space<vmem_shared>>)
      tpu.yield
    }) : () -> ()
    %barrier3A_15 = arith.constant 0 : index
    tpu.barrier barrier_id(%barrier3A_15)
    %mul3A_16 = arith.constant 512 : i32
    %mul3A_17 = arith.muli %arg1, %mul3A_16 : i32
    "tpu.region"() ({
      %run_scoped3A = tpu.sem_alloc : memref<!tpu.dma_semaphore, #tpu.memory_space<semaphore_mem>>
      %dma_start3A_20 = tpu.memref_slice %arg10[%mul3A_17] : memref<8192xi32, #tpu.memory_space<vmem_shared>> -> memref<512xi32, #tpu.memory_space<vmem_shared>>
      %dma_start3A_21 = tpu.memref_slice %arg10[%mul3A_17] : memref<8192xi32, #tpu.memory_space<vmem_shared>> -> memref<512xi32, #tpu.memory_space<vmem_shared>>
      tpu.enqueue_dma source(%dma_start3A_21 : memref<512xi32, #tpu.memory_space<vmem_shared>>) target(%arg8 : memref<512xi32, #tpu.memory_space<vmem>>) target_semaphore(%run_scoped3A : memref<!tpu.dma_semaphore, #tpu.memory_space<semaphore_mem>>)
      %dma_wait3A_22 = tpu.memref_slice %arg10[%mul3A_17] : memref<8192xi32, #tpu.memory_space<vmem_shared>> -> memref<512xi32, #tpu.memory_space<vmem_shared>>
      %dma_wait3A_23 = tpu.memref_slice %arg10[%mul3A_17] : memref<8192xi32, #tpu.memory_space<vmem_shared>> -> memref<512xi32, #tpu.memory_space<vmem_shared>>
      tpu.wait_dma2 semaphore(%run_scoped3A : memref<!tpu.dma_semaphore, #tpu.memory_space<semaphore_mem>>) src(%dma_wait3A_23 : memref<512xi32, #tpu.memory_space<vmem_shared>>) dst(%arg8 : memref<512xi32, #tpu.memory_space<vmem>>)
      tpu.yield
    }) : () -> ()
    %mul3A_18 = arith.constant 512 : i32
    %mul3A_19 = arith.muli %arg1, %mul3A_18 : i32
    "tpu.region"() ({
      %run_scoped3A = tpu.sem_alloc : memref<!tpu.dma_semaphore, #tpu.memory_space<semaphore_mem>>
      %dma_start3A_20 = tpu.memref_slice %arg5[%arg0, %mul3A_19] : memref<2x8192xi32, #tpu.memory_space<hbm>> -> memref<1x512xi32, #tpu.memory_space<hbm>>
      %dma_start3A_21 = tpu.memref_squeeze %dma_start3A_20 : memref<1x512xi32, #tpu.memory_space<hbm>> -> memref<512xi32, #tpu.memory_space<hbm>>
      %dma_start3A_22 = tpu.memref_slice %arg5[%arg0, %mul3A_19] : memref<2x8192xi32, #tpu.memory_space<hbm>> -> memref<1x512xi32, #tpu.memory_space<hbm>>
      %dma_start3A_23 = tpu.memref_squeeze %dma_start3A_22 : memref<1x512xi32, #tpu.memory_space<hbm>> -> memref<512xi32, #tpu.memory_space<hbm>>
      tpu.enqueue_dma source(%arg8 : memref<512xi32, #tpu.memory_space<vmem>>) target(%dma_start3A_23 : memref<512xi32, #tpu.memory_space<hbm>>) target_semaphore(%run_scoped3A : memref<!tpu.dma_semaphore, #tpu.memory_space<semaphore_mem>>)
      %dma_wait3A_24 = tpu.memref_slice %arg5[%arg0, %mul3A_19] : memref<2x8192xi32, #tpu.memory_space<hbm>> -> memref<1x512xi32, #tpu.memory_space<hbm>>
      %dma_wait3A_25 = tpu.memref_squeeze %dma_wait3A_24 : memref<1x512xi32, #tpu.memory_space<hbm>> -> memref<512xi32, #tpu.memory_space<hbm>>
      %dma_wait3A_26 = tpu.memref_slice %arg5[%arg0, %mul3A_19] : memref<2x8192xi32, #tpu.memory_space<hbm>> -> memref<1x512xi32, #tpu.memory_space<hbm>>
      %dma_wait3A_27 = tpu.memref_squeeze %dma_wait3A_26 : memref<1x512xi32, #tpu.memory_space<hbm>> -> memref<512xi32, #tpu.memory_space<hbm>>
      tpu.wait_dma2 semaphore(%run_scoped3A : memref<!tpu.dma_semaphore, #tpu.memory_space<semaphore_mem>>) src(%arg8 : memref<512xi32, #tpu.memory_space<vmem>>) dst(%dma_wait3A_27 : memref<512xi32, #tpu.memory_space<hbm>>)
      tpu.yield
    }) : () -> ()
    return
  }
}

module attributes {stable_mosaic.version = 14 : i64} {
  func.func @_scan_body(%arg0: i32, %arg1: memref<1024x64xf32, #tpu.memory_space<vmem>>, %arg2: memref<8192x64xf32, #tpu.memory_space<vmem>>, %arg3: memref<64x64xf32, #tpu.memory_space<vmem>>, %arg4: memref<1x64xf32, #tpu.memory_space<vmem>>, %arg5: memref<1024xi32, #tpu.memory_space<vmem>>, %arg6: memref<1x1xf32, #tpu.memory_space<smem>>, %arg7: memref<8192x64xf32, #tpu.memory_space<vmem>>, %arg8: memref<8192x64xf32, #tpu.memory_space<vmem>>, %arg9: memref<64x8x128xf32, #tpu.memory_space<vmem>>, %arg10: memref<1xf32, #tpu.memory_space<smem>>) attributes {dimension_semantics = [#tpu.dimension_semantics<arbitrary>], iteration_bounds = array<i64: 16>, scalar_prefetch = 0 : i64, scratch_operands = 3 : i64, tpu.core_type = #tpu.core_type<tc>, window_params = [{transform_indices = @transform_0, window_bounds = array<i64: 1024, 64>}, {pipeline_mode = #tpu.pipeline_mode<synchronous>, transform_indices = @transform_1, window_bounds = array<i64: 8192, 64>}, {pipeline_mode = #tpu.pipeline_mode<synchronous>, transform_indices = @transform_2, window_bounds = array<i64: 64, 64>}, {pipeline_mode = #tpu.pipeline_mode<synchronous>, transform_indices = @transform_3, window_bounds = array<i64: 1, 64>}, {transform_indices = @transform_4, window_bounds = array<i64: 1024>}, {transform_indices = @transform_5, window_bounds = array<i64: 1, 1>}, {pipeline_mode = #tpu.pipeline_mode<synchronous>, transform_indices = @transform_6, window_bounds = array<i64: 8192, 64>}]} {
    %get3A = arith.constant 0 : index
    %get3A_0 = arith.constant 0 : index
    %get3A_1 = vector.load %arg1[%get3A, %get3A_0] : memref<1024x64xf32, #tpu.memory_space<vmem>>, vector<1024x64xf32>
    %eq3A = arith.constant 0 : i32
    %eq3A_2 = arith.cmpi eq, %arg0, %eq3A : i32
    %convert_element_type3A = arith.extui %eq3A_2 : i1 to i32
    %cond3A = arith.constant 0 : i32
    %cond3A_3 = arith.cmpi ne, %convert_element_type3A, %cond3A : i32
    scf.if %cond3A_3 {
      %get3A_1122 = arith.constant 0 : index
      %get3A_1123 = arith.constant 0 : index
      %get3A_1124 = vector.load %arg2[%get3A_1122, %get3A_1123] : memref<8192x64xf32, #tpu.memory_space<vmem>>, vector<8192x64xf32>
      %get3A_1125 = arith.constant 0 : index
      %get3A_1126 = arith.constant 0 : index
      %get3A_1127 = vector.load %arg3[%get3A_1125, %get3A_1126] : memref<64x64xf32, #tpu.memory_space<vmem>>, vector<64x64xf32>
      %dot_general3A_1128 = arith.constant dense<0.000000e+00> : vector<8192x64xf32>
      %dot_general3A_1129 = tpu.matmul %get3A_1124, %get3A_1127, %dot_general3A_1128 {dimension_numbers = #tpu.dot_dimension_numbers<[1], [1], [0], [0], [0, 0, 1, 0], [], []>, transpose_lhs_hint = false} : vector<8192x64xf32>, vector<64x64xf32>, vector<8192x64xf32> -> vector<8192x64xf32>
      %get3A_1130 = arith.constant 0 : index
      %get3A_1131 = arith.constant 0 : index
      %get3A_1132 = vector.load %arg4[%get3A_1130, %get3A_1131] : memref<1x64xf32, #tpu.memory_space<vmem>>, vector<1x64xf32>
      %add3A_1133 = vector.broadcast %get3A_1132 : vector<1x64xf32> to vector<8192x64xf32>
      %add3A_1134 = arith.addf %dot_general3A_1129, %add3A_1133 : vector<8192x64xf32>
      %swap3A_1135 = arith.constant 0 : index
      %swap3A_1136 = arith.constant 0 : index
      %swap3A_1137 = vector.load %arg7[%swap3A_1135, %swap3A_1136] : memref<8192x64xf32, #tpu.memory_space<vmem>>, vector<8192x64xf32>
      tpu.vector_store %arg7[%swap3A_1135, %swap3A_1136], %add3A_1134 {strides = array<i32>} : memref<8192x64xf32, #tpu.memory_space<vmem>>, vector<8192x64xf32>,
      %mul3A_1138 = arith.constant -2.000000e+00 : f32
      %mul3A_1139 = vector.broadcast %mul3A_1138 : f32 to vector<8192x64xf32>
      %mul3A_1140 = arith.mulf %mul3A_1139, %add3A_1134 : vector<8192x64xf32>
      %swap3A_1141 = arith.constant 0 : index
      %swap3A_1142 = arith.constant 0 : index
      %swap3A_1143 = vector.load %arg8[%swap3A_1141, %swap3A_1142] : memref<8192x64xf32, #tpu.memory_space<vmem>>, vector<8192x64xf32>
      tpu.vector_store %arg8[%swap3A_1141, %swap3A_1142], %mul3A_1140 {strides = array<i32>} : memref<8192x64xf32, #tpu.memory_space<vmem>>, vector<8192x64xf32>,
      %mul3A_1144 = arith.mulf %add3A_1134, %add3A_1134 : vector<8192x64xf32>
      %reduce_sum3A_1145 = arith.constant dense<0.000000e+00> : vector<8192xf32>
      %reduce_sum3A_1146 = vector.multi_reduction <add>, %mul3A_1144, %reduce_sum3A_1145 [1] : vector<8192x64xf32> to vector<8192xf32>
      %reshape3A_1147 = vector.shape_cast %reduce_sum3A_1146 : vector<8192xf32> to vector<64x1x128xf32>
      %broadcast_in_dim3A_1148 = vector.shape_cast %reshape3A_1147 : vector<64x1x128xf32> to vector<64x1x128xf32>
      %broadcast_in_dim3A_1149 = vector.broadcast %broadcast_in_dim3A_1148 : vector<64x1x128xf32> to vector<64x8x128xf32>
      %swap3A_1150 = arith.constant 0 : index
      %swap3A_1151 = arith.constant 0 : index
      %swap3A_1152 = arith.constant 0 : index
      %swap3A_1153 = vector.load %arg9[%swap3A_1150, %swap3A_1151, %swap3A_1152] : memref<64x8x128xf32, #tpu.memory_space<vmem>>, vector<64x8x128xf32>
      tpu.vector_store %arg9[%swap3A_1150, %swap3A_1151, %swap3A_1152], %broadcast_in_dim3A_1149 {strides = array<i32>} : memref<64x8x128xf32, #tpu.memory_space<vmem>>, vector<64x8x128xf32>,
    } else {
    }
    %mul3A = arith.mulf %get3A_1, %get3A_1 : vector<1024x64xf32>
    %reduce_sum3A = arith.constant dense<0.000000e+00> : vector<1024xf32>
    %reduce_sum3A_4 = vector.multi_reduction <add>, %mul3A, %reduce_sum3A [1] : vector<1024x64xf32> to vector<1024xf32>
    %broadcast_in_dim3A = vector.shape_cast %reduce_sum3A_4 : vector<1024xf32> to vector<1024x1xf32>
    %broadcast_in_dim3A_5 = vector.shape_cast %broadcast_in_dim3A : vector<1024x1xf32> to vector<1024x1xf32>
    %broadcast_in_dim3A_6 = vector.broadcast %broadcast_in_dim3A_5 : vector<1024x1xf32> to vector<1024x128xf32>
    %get3A_7 = arith.constant 0 : index
    %get3A_8 = arith.constant 0 : index
    %get3A_9 = vector.load %arg8[%get3A_7, %get3A_8] : memref<8192x64xf32, #tpu.memory_space<vmem>>, vector<8192x64xf32>
    %dot_general3A = arith.constant dense<0.000000e+00> : vector<1024x8192xf32>
    %dot_general3A_10 = tpu.matmul %get3A_1, %get3A_9, %dot_general3A {dimension_numbers = #tpu.dot_dimension_numbers<[1], [1], [0], [0], [0, 0, 1, 0], [], []>, transpose_lhs_hint = false} : vector<1024x64xf32>, vector<8192x64xf32>, vector<1024x8192xf32> -> vector<1024x8192xf32>
    %get3A_11 = arith.constant 0 : index
    %get3A_12 = arith.constant 0 : index
    %get3A_13 = arith.constant 0 : index
    %get3A_14 = vector.load %arg9[%get3A_11, %get3A_12, %get3A_13] : memref<64x8x128xf32, #tpu.memory_space<vmem>>, vector<1x8x128xf32>
    %get3A_15 = vector.shape_cast %get3A_14 : vector<1x8x128xf32> to vector<8x128xf32>
    %broadcast_in_dim3A_16 = vector.shape_cast %get3A_15 : vector<8x128xf32> to vector<1x8x128xf32>
    %broadcast_in_dim3A_17 = vector.shape_cast %broadcast_in_dim3A_16 : vector<1x8x128xf32> to vector<1x8x128xf32>
    %broadcast_in_dim3A_18 = vector.broadcast %broadcast_in_dim3A_17 : vector<1x8x128xf32> to vector<128x8x128xf32>
    %reshape3A = vector.shape_cast %broadcast_in_dim3A_18 : vector<128x8x128xf32> to vector<1024x128xf32>
    %add3A = arith.addf %broadcast_in_dim3A_6, %reshape3A : vector<1024x128xf32>
    %slice3A = vector.extract_strided_slice %dot_general3A_10 {offsets = [0, 0], sizes = [1024, 128], strides = [1, 1]} : vector<1024x8192xf32> to vector<1024x128xf32>
    %add3A_19 = arith.addf %add3A, %slice3A : vector<1024x128xf32>
    %get3A_20 = arith.constant 1 : index
    %get3A_21 = arith.constant 0 : index
    %get3A_22 = arith.constant 0 : index
    %get3A_23 = vector.load %arg9[%get3A_20, %get3A_21, %get3A_22] : memref<64x8x128xf32, #tpu.memory_space<vmem>>, vector<1x8x128xf32>
    %get3A_24 = vector.shape_cast %get3A_23 : vector<1x8x128xf32> to vector<8x128xf32>
    %broadcast_in_dim3A_25 = vector.shape_cast %get3A_24 : vector<8x128xf32> to vector<1x8x128xf32>
    %broadcast_in_dim3A_26 = vector.shape_cast %broadcast_in_dim3A_25 : vector<1x8x128xf32> to vector<1x8x128xf32>
    %broadcast_in_dim3A_27 = vector.broadcast %broadcast_in_dim3A_26 : vector<1x8x128xf32> to vector<128x8x128xf32>
    %reshape3A_28 = vector.shape_cast %broadcast_in_dim3A_27 : vector<128x8x128xf32> to vector<1024x128xf32>
    %add3A_29 = arith.addf %broadcast_in_dim3A_6, %reshape3A_28 : vector<1024x128xf32>
    %slice3A_30 = vector.extract_strided_slice %dot_general3A_10 {offsets = [0, 128], sizes = [1024, 128], strides = [1, 1]} : vector<1024x8192xf32> to vector<1024x128xf32>
    %add3A_31 = arith.addf %add3A_29, %slice3A_30 : vector<1024x128xf32>
    %get3A_32 = arith.constant 2 : index
    %get3A_33 = arith.constant 0 : index
    %get3A_34 = arith.constant 0 : index
    %get3A_35 = vector.load %arg9[%get3A_32, %get3A_33, %get3A_34] : memref<64x8x128xf32, #tpu.memory_space<vmem>>, vector<1x8x128xf32>
    %get3A_36 = vector.shape_cast %get3A_35 : vector<1x8x128xf32> to vector<8x128xf32>
    %broadcast_in_dim3A_37 = vector.shape_cast %get3A_36 : vector<8x128xf32> to vector<1x8x128xf32>
    %broadcast_in_dim3A_38 = vector.shape_cast %broadcast_in_dim3A_37 : vector<1x8x128xf32> to vector<1x8x128xf32>
    %broadcast_in_dim3A_39 = vector.broadcast %broadcast_in_dim3A_38 : vector<1x8x128xf32> to vector<128x8x128xf32>
    %reshape3A_40 = vector.shape_cast %broadcast_in_dim3A_39 : vector<128x8x128xf32> to vector<1024x128xf32>
    %add3A_41 = arith.addf %broadcast_in_dim3A_6, %reshape3A_40 : vector<1024x128xf32>
    %slice3A_42 = vector.extract_strided_slice %dot_general3A_10 {offsets = [0, 256], sizes = [1024, 128], strides = [1, 1]} : vector<1024x8192xf32> to vector<1024x128xf32>
    %add3A_43 = arith.addf %add3A_41, %slice3A_42 : vector<1024x128xf32>
    %get3A_44 = arith.constant 3 : index
    %get3A_45 = arith.constant 0 : index
    %get3A_46 = arith.constant 0 : index
    %get3A_47 = vector.load %arg9[%get3A_44, %get3A_45, %get3A_46] : memref<64x8x128xf32, #tpu.memory_space<vmem>>, vector<1x8x128xf32>
    %get3A_48 = vector.shape_cast %get3A_47 : vector<1x8x128xf32> to vector<8x128xf32>
    %broadcast_in_dim3A_49 = vector.shape_cast %get3A_48 : vector<8x128xf32> to vector<1x8x128xf32>
    %broadcast_in_dim3A_50 = vector.shape_cast %broadcast_in_dim3A_49 : vector<1x8x128xf32> to vector<1x8x128xf32>
    %broadcast_in_dim3A_51 = vector.broadcast %broadcast_in_dim3A_50 : vector<1x8x128xf32> to vector<128x8x128xf32>
    %reshape3A_52 = vector.shape_cast %broadcast_in_dim3A_51 : vector<128x8x128xf32> to vector<1024x128xf32>
    %add3A_53 = arith.addf %broadcast_in_dim3A_6, %reshape3A_52 : vector<1024x128xf32>
    %slice3A_54 = vector.extract_strided_slice %dot_general3A_10 {offsets = [0, 384], sizes = [1024, 128], strides = [1, 1]} : vector<1024x8192xf32> to vector<1024x128xf32>
    %add3A_55 = arith.addf %add3A_53, %slice3A_54 : vector<1024x128xf32>
    %get3A_56 = arith.constant 4 : index
    %get3A_57 = arith.constant 0 : index
    %get3A_58 = arith.constant 0 : index
    %get3A_59 = vector.load %arg9[%get3A_56, %get3A_57, %get3A_58] : memref<64x8x128xf32, #tpu.memory_space<vmem>>, vector<1x8x128xf32>
    %get3A_60 = vector.shape_cast %get3A_59 : vector<1x8x128xf32> to vector<8x128xf32>
    %broadcast_in_dim3A_61 = vector.shape_cast %get3A_60 : vector<8x128xf32> to vector<1x8x128xf32>
    %broadcast_in_dim3A_62 = vector.shape_cast %broadcast_in_dim3A_61 : vector<1x8x128xf32> to vector<1x8x128xf32>
    %broadcast_in_dim3A_63 = vector.broadcast %broadcast_in_dim3A_62 : vector<1x8x128xf32> to vector<128x8x128xf32>
    %reshape3A_64 = vector.shape_cast %broadcast_in_dim3A_63 : vector<128x8x128xf32> to vector<1024x128xf32>
    %add3A_65 = arith.addf %broadcast_in_dim3A_6, %reshape3A_64 : vector<1024x128xf32>
    %slice3A_66 = vector.extract_strided_slice %dot_general3A_10 {offsets = [0, 512], sizes = [1024, 128], strides = [1, 1]} : vector<1024x8192xf32> to vector<1024x128xf32>
    %add3A_67 = arith.addf %add3A_65, %slice3A_66 : vector<1024x128xf32>
    %get3A_68 = arith.constant 5 : index
    %get3A_69 = arith.constant 0 : index
    %get3A_70 = arith.constant 0 : index
    %get3A_71 = vector.load %arg9[%get3A_68, %get3A_69, %get3A_70] : memref<64x8x128xf32, #tpu.memory_space<vmem>>, vector<1x8x128xf32>
    %get3A_72 = vector.shape_cast %get3A_71 : vector<1x8x128xf32> to vector<8x128xf32>
    %broadcast_in_dim3A_73 = vector.shape_cast %get3A_72 : vector<8x128xf32> to vector<1x8x128xf32>
    %broadcast_in_dim3A_74 = vector.shape_cast %broadcast_in_dim3A_73 : vector<1x8x128xf32> to vector<1x8x128xf32>
    %broadcast_in_dim3A_75 = vector.broadcast %broadcast_in_dim3A_74 : vector<1x8x128xf32> to vector<128x8x128xf32>
    %reshape3A_76 = vector.shape_cast %broadcast_in_dim3A_75 : vector<128x8x128xf32> to vector<1024x128xf32>
    %add3A_77 = arith.addf %broadcast_in_dim3A_6, %reshape3A_76 : vector<1024x128xf32>
    %slice3A_78 = vector.extract_strided_slice %dot_general3A_10 {offsets = [0, 640], sizes = [1024, 128], strides = [1, 1]} : vector<1024x8192xf32> to vector<1024x128xf32>
    %add3A_79 = arith.addf %add3A_77, %slice3A_78 : vector<1024x128xf32>
    %get3A_80 = arith.constant 6 : index
    %get3A_81 = arith.constant 0 : index
    %get3A_82 = arith.constant 0 : index
    %get3A_83 = vector.load %arg9[%get3A_80, %get3A_81, %get3A_82] : memref<64x8x128xf32, #tpu.memory_space<vmem>>, vector<1x8x128xf32>
    %get3A_84 = vector.shape_cast %get3A_83 : vector<1x8x128xf32> to vector<8x128xf32>
    %broadcast_in_dim3A_85 = vector.shape_cast %get3A_84 : vector<8x128xf32> to vector<1x8x128xf32>
    %broadcast_in_dim3A_86 = vector.shape_cast %broadcast_in_dim3A_85 : vector<1x8x128xf32> to vector<1x8x128xf32>
    %broadcast_in_dim3A_87 = vector.broadcast %broadcast_in_dim3A_86 : vector<1x8x128xf32> to vector<128x8x128xf32>
    %reshape3A_88 = vector.shape_cast %broadcast_in_dim3A_87 : vector<128x8x128xf32> to vector<1024x128xf32>
    %add3A_89 = arith.addf %broadcast_in_dim3A_6, %reshape3A_88 : vector<1024x128xf32>
    %slice3A_90 = vector.extract_strided_slice %dot_general3A_10 {offsets = [0, 768], sizes = [1024, 128], strides = [1, 1]} : vector<1024x8192xf32> to vector<1024x128xf32>
    %add3A_91 = arith.addf %add3A_89, %slice3A_90 : vector<1024x128xf32>
    %get3A_92 = arith.constant 7 : index
    %get3A_93 = arith.constant 0 : index
    %get3A_94 = arith.constant 0 : index
    %get3A_95 = vector.load %arg9[%get3A_92, %get3A_93, %get3A_94] : memref<64x8x128xf32, #tpu.memory_space<vmem>>, vector<1x8x128xf32>
    %get3A_96 = vector.shape_cast %get3A_95 : vector<1x8x128xf32> to vector<8x128xf32>
    %broadcast_in_dim3A_97 = vector.shape_cast %get3A_96 : vector<8x128xf32> to vector<1x8x128xf32>
    %broadcast_in_dim3A_98 = vector.shape_cast %broadcast_in_dim3A_97 : vector<1x8x128xf32> to vector<1x8x128xf32>
    %broadcast_in_dim3A_99 = vector.broadcast %broadcast_in_dim3A_98 : vector<1x8x128xf32> to vector<128x8x128xf32>
    %reshape3A_100 = vector.shape_cast %broadcast_in_dim3A_99 : vector<128x8x128xf32> to vector<1024x128xf32>
    %add3A_101 = arith.addf %broadcast_in_dim3A_6, %reshape3A_100 : vector<1024x128xf32>
    %slice3A_102 = vector.extract_strided_slice %dot_general3A_10 {offsets = [0, 896], sizes = [1024, 128], strides = [1, 1]} : vector<1024x8192xf32> to vector<1024x128xf32>
    %add3A_103 = arith.addf %add3A_101, %slice3A_102 : vector<1024x128xf32>
    %get3A_104 = arith.constant 8 : index
    %get3A_105 = arith.constant 0 : index
    %get3A_106 = arith.constant 0 : index
    %get3A_107 = vector.load %arg9[%get3A_104, %get3A_105, %get3A_106] : memref<64x8x128xf32, #tpu.memory_space<vmem>>, vector<1x8x128xf32>
    %get3A_108 = vector.shape_cast %get3A_107 : vector<1x8x128xf32> to vector<8x128xf32>
    %broadcast_in_dim3A_109 = vector.shape_cast %get3A_108 : vector<8x128xf32> to vector<1x8x128xf32>
    %broadcast_in_dim3A_110 = vector.shape_cast %broadcast_in_dim3A_109 : vector<1x8x128xf32> to vector<1x8x128xf32>
    %broadcast_in_dim3A_111 = vector.broadcast %broadcast_in_dim3A_110 : vector<1x8x128xf32> to vector<128x8x128xf32>
    %reshape3A_112 = vector.shape_cast %broadcast_in_dim3A_111 : vector<128x8x128xf32> to vector<1024x128xf32>
    %add3A_113 = arith.addf %broadcast_in_dim3A_6, %reshape3A_112 : vector<1024x128xf32>
    %slice3A_114 = vector.extract_strided_slice %dot_general3A_10 {offsets = [0, 1024], sizes = [1024, 128], strides = [1, 1]} : vector<1024x8192xf32> to vector<1024x128xf32>
    %add3A_115 = arith.addf %add3A_113, %slice3A_114 : vector<1024x128xf32>
    %get3A_116 = arith.constant 9 : index
    %get3A_117 = arith.constant 0 : index
    %get3A_118 = arith.constant 0 : index
    %get3A_119 = vector.load %arg9[%get3A_116, %get3A_117, %get3A_118] : memref<64x8x128xf32, #tpu.memory_space<vmem>>, vector<1x8x128xf32>
    %get3A_120 = vector.shape_cast %get3A_119 : vector<1x8x128xf32> to vector<8x128xf32>
    %broadcast_in_dim3A_121 = vector.shape_cast %get3A_120 : vector<8x128xf32> to vector<1x8x128xf32>
    %broadcast_in_dim3A_122 = vector.shape_cast %broadcast_in_dim3A_121 : vector<1x8x128xf32> to vector<1x8x128xf32>
    %broadcast_in_dim3A_123 = vector.broadcast %broadcast_in_dim3A_122 : vector<1x8x128xf32> to vector<128x8x128xf32>
    %reshape3A_124 = vector.shape_cast %broadcast_in_dim3A_123 : vector<128x8x128xf32> to vector<1024x128xf32>
    %add3A_125 = arith.addf %broadcast_in_dim3A_6, %reshape3A_124 : vector<1024x128xf32>
    %slice3A_126 = vector.extract_strided_slice %dot_general3A_10 {offsets = [0, 1152], sizes = [1024, 128], strides = [1, 1]} : vector<1024x8192xf32> to vector<1024x128xf32>
    %add3A_127 = arith.addf %add3A_125, %slice3A_126 : vector<1024x128xf32>
    %get3A_128 = arith.constant 10 : index
    %get3A_129 = arith.constant 0 : index
    %get3A_130 = arith.constant 0 : index
    %get3A_131 = vector.load %arg9[%get3A_128, %get3A_129, %get3A_130] : memref<64x8x128xf32, #tpu.memory_space<vmem>>, vector<1x8x128xf32>
    %get3A_132 = vector.shape_cast %get3A_131 : vector<1x8x128xf32> to vector<8x128xf32>
    %broadcast_in_dim3A_133 = vector.shape_cast %get3A_132 : vector<8x128xf32> to vector<1x8x128xf32>
    %broadcast_in_dim3A_134 = vector.shape_cast %broadcast_in_dim3A_133 : vector<1x8x128xf32> to vector<1x8x128xf32>
    %broadcast_in_dim3A_135 = vector.broadcast %broadcast_in_dim3A_134 : vector<1x8x128xf32> to vector<128x8x128xf32>
    %reshape3A_136 = vector.shape_cast %broadcast_in_dim3A_135 : vector<128x8x128xf32> to vector<1024x128xf32>
    %add3A_137 = arith.addf %broadcast_in_dim3A_6, %reshape3A_136 : vector<1024x128xf32>
    %slice3A_138 = vector.extract_strided_slice %dot_general3A_10 {offsets = [0, 1280], sizes = [1024, 128], strides = [1, 1]} : vector<1024x8192xf32> to vector<1024x128xf32>
    %add3A_139 = arith.addf %add3A_137, %slice3A_138 : vector<1024x128xf32>
    %get3A_140 = arith.constant 11 : index
    %get3A_141 = arith.constant 0 : index
    %get3A_142 = arith.constant 0 : index
    %get3A_143 = vector.load %arg9[%get3A_140, %get3A_141, %get3A_142] : memref<64x8x128xf32, #tpu.memory_space<vmem>>, vector<1x8x128xf32>
    %get3A_144 = vector.shape_cast %get3A_143 : vector<1x8x128xf32> to vector<8x128xf32>
    %broadcast_in_dim3A_145 = vector.shape_cast %get3A_144 : vector<8x128xf32> to vector<1x8x128xf32>
    %broadcast_in_dim3A_146 = vector.shape_cast %broadcast_in_dim3A_145 : vector<1x8x128xf32> to vector<1x8x128xf32>
    %broadcast_in_dim3A_147 = vector.broadcast %broadcast_in_dim3A_146 : vector<1x8x128xf32> to vector<128x8x128xf32>
    %reshape3A_148 = vector.shape_cast %broadcast_in_dim3A_147 : vector<128x8x128xf32> to vector<1024x128xf32>
    %add3A_149 = arith.addf %broadcast_in_dim3A_6, %reshape3A_148 : vector<1024x128xf32>
    %slice3A_150 = vector.extract_strided_slice %dot_general3A_10 {offsets = [0, 1408], sizes = [1024, 128], strides = [1, 1]} : vector<1024x8192xf32> to vector<1024x128xf32>
    %add3A_151 = arith.addf %add3A_149, %slice3A_150 : vector<1024x128xf32>
    %get3A_152 = arith.constant 12 : index
    %get3A_153 = arith.constant 0 : index
    %get3A_154 = arith.constant 0 : index
    %get3A_155 = vector.load %arg9[%get3A_152, %get3A_153, %get3A_154] : memref<64x8x128xf32, #tpu.memory_space<vmem>>, vector<1x8x128xf32>
    %get3A_156 = vector.shape_cast %get3A_155 : vector<1x8x128xf32> to vector<8x128xf32>
    %broadcast_in_dim3A_157 = vector.shape_cast %get3A_156 : vector<8x128xf32> to vector<1x8x128xf32>
    %broadcast_in_dim3A_158 = vector.shape_cast %broadcast_in_dim3A_157 : vector<1x8x128xf32> to vector<1x8x128xf32>
    %broadcast_in_dim3A_159 = vector.broadcast %broadcast_in_dim3A_158 : vector<1x8x128xf32> to vector<128x8x128xf32>
    %reshape3A_160 = vector.shape_cast %broadcast_in_dim3A_159 : vector<128x8x128xf32> to vector<1024x128xf32>
    %add3A_161 = arith.addf %broadcast_in_dim3A_6, %reshape3A_160 : vector<1024x128xf32>
    %slice3A_162 = vector.extract_strided_slice %dot_general3A_10 {offsets = [0, 1536], sizes = [1024, 128], strides = [1, 1]} : vector<1024x8192xf32> to vector<1024x128xf32>
    %add3A_163 = arith.addf %add3A_161, %slice3A_162 : vector<1024x128xf32>
    %get3A_164 = arith.constant 13 : index
    %get3A_165 = arith.constant 0 : index
    %get3A_166 = arith.constant 0 : index
    %get3A_167 = vector.load %arg9[%get3A_164, %get3A_165, %get3A_166] : memref<64x8x128xf32, #tpu.memory_space<vmem>>, vector<1x8x128xf32>
    %get3A_168 = vector.shape_cast %get3A_167 : vector<1x8x128xf32> to vector<8x128xf32>
    %broadcast_in_dim3A_169 = vector.shape_cast %get3A_168 : vector<8x128xf32> to vector<1x8x128xf32>
    %broadcast_in_dim3A_170 = vector.shape_cast %broadcast_in_dim3A_169 : vector<1x8x128xf32> to vector<1x8x128xf32>
    %broadcast_in_dim3A_171 = vector.broadcast %broadcast_in_dim3A_170 : vector<1x8x128xf32> to vector<128x8x128xf32>
    %reshape3A_172 = vector.shape_cast %broadcast_in_dim3A_171 : vector<128x8x128xf32> to vector<1024x128xf32>
    %add3A_173 = arith.addf %broadcast_in_dim3A_6, %reshape3A_172 : vector<1024x128xf32>
    %slice3A_174 = vector.extract_strided_slice %dot_general3A_10 {offsets = [0, 1664], sizes = [1024, 128], strides = [1, 1]} : vector<1024x8192xf32> to vector<1024x128xf32>
    %add3A_175 = arith.addf %add3A_173, %slice3A_174 : vector<1024x128xf32>
    %get3A_176 = arith.constant 14 : index
    %get3A_177 = arith.constant 0 : index
    %get3A_178 = arith.constant 0 : index
    %get3A_179 = vector.load %arg9[%get3A_176, %get3A_177, %get3A_178] : memref<64x8x128xf32, #tpu.memory_space<vmem>>, vector<1x8x128xf32>
    %get3A_180 = vector.shape_cast %get3A_179 : vector<1x8x128xf32> to vector<8x128xf32>
    %broadcast_in_dim3A_181 = vector.shape_cast %get3A_180 : vector<8x128xf32> to vector<1x8x128xf32>
    %broadcast_in_dim3A_182 = vector.shape_cast %broadcast_in_dim3A_181 : vector<1x8x128xf32> to vector<1x8x128xf32>
    %broadcast_in_dim3A_183 = vector.broadcast %broadcast_in_dim3A_182 : vector<1x8x128xf32> to vector<128x8x128xf32>
    %reshape3A_184 = vector.shape_cast %broadcast_in_dim3A_183 : vector<128x8x128xf32> to vector<1024x128xf32>
    %add3A_185 = arith.addf %broadcast_in_dim3A_6, %reshape3A_184 : vector<1024x128xf32>
    %slice3A_186 = vector.extract_strided_slice %dot_general3A_10 {offsets = [0, 1792], sizes = [1024, 128], strides = [1, 1]} : vector<1024x8192xf32> to vector<1024x128xf32>
    %add3A_187 = arith.addf %add3A_185, %slice3A_186 : vector<1024x128xf32>
    %get3A_188 = arith.constant 15 : index
    %get3A_189 = arith.constant 0 : index
    %get3A_190 = arith.constant 0 : index
    %get3A_191 = vector.load %arg9[%get3A_188, %get3A_189, %get3A_190] : memref<64x8x128xf32, #tpu.memory_space<vmem>>, vector<1x8x128xf32>
    %get3A_192 = vector.shape_cast %get3A_191 : vector<1x8x128xf32> to vector<8x128xf32>
    %broadcast_in_dim3A_193 = vector.shape_cast %get3A_192 : vector<8x128xf32> to vector<1x8x128xf32>
    %broadcast_in_dim3A_194 = vector.shape_cast %broadcast_in_dim3A_193 : vector<1x8x128xf32> to vector<1x8x128xf32>
    %broadcast_in_dim3A_195 = vector.broadcast %broadcast_in_dim3A_194 : vector<1x8x128xf32> to vector<128x8x128xf32>
    %reshape3A_196 = vector.shape_cast %broadcast_in_dim3A_195 : vector<128x8x128xf32> to vector<1024x128xf32>
    %add3A_197 = arith.addf %broadcast_in_dim3A_6, %reshape3A_196 : vector<1024x128xf32>
    %slice3A_198 = vector.extract_strided_slice %dot_general3A_10 {offsets = [0, 1920], sizes = [1024, 128], strides = [1, 1]} : vector<1024x8192xf32> to vector<1024x128xf32>
    %add3A_199 = arith.addf %add3A_197, %slice3A_198 : vector<1024x128xf32>
    %get3A_200 = arith.constant 16 : index
    %get3A_201 = arith.constant 0 : index
    %get3A_202 = arith.constant 0 : index
    %get3A_203 = vector.load %arg9[%get3A_200, %get3A_201, %get3A_202] : memref<64x8x128xf32, #tpu.memory_space<vmem>>, vector<1x8x128xf32>
    %get3A_204 = vector.shape_cast %get3A_203 : vector<1x8x128xf32> to vector<8x128xf32>
    %broadcast_in_dim3A_205 = vector.shape_cast %get3A_204 : vector<8x128xf32> to vector<1x8x128xf32>
    %broadcast_in_dim3A_206 = vector.shape_cast %broadcast_in_dim3A_205 : vector<1x8x128xf32> to vector<1x8x128xf32>
    %broadcast_in_dim3A_207 = vector.broadcast %broadcast_in_dim3A_206 : vector<1x8x128xf32> to vector<128x8x128xf32>
    %reshape3A_208 = vector.shape_cast %broadcast_in_dim3A_207 : vector<128x8x128xf32> to vector<1024x128xf32>
    %add3A_209 = arith.addf %broadcast_in_dim3A_6, %reshape3A_208 : vector<1024x128xf32>
    %slice3A_210 = vector.extract_strided_slice %dot_general3A_10 {offsets = [0, 2048], sizes = [1024, 128], strides = [1, 1]} : vector<1024x8192xf32> to vector<1024x128xf32>
    %add3A_211 = arith.addf %add3A_209, %slice3A_210 : vector<1024x128xf32>
    %get3A_212 = arith.constant 17 : index
    %get3A_213 = arith.constant 0 : index
    %get3A_214 = arith.constant 0 : index
    %get3A_215 = vector.load %arg9[%get3A_212, %get3A_213, %get3A_214] : memref<64x8x128xf32, #tpu.memory_space<vmem>>, vector<1x8x128xf32>
    %get3A_216 = vector.shape_cast %get3A_215 : vector<1x8x128xf32> to vector<8x128xf32>
    %broadcast_in_dim3A_217 = vector.shape_cast %get3A_216 : vector<8x128xf32> to vector<1x8x128xf32>
    %broadcast_in_dim3A_218 = vector.shape_cast %broadcast_in_dim3A_217 : vector<1x8x128xf32> to vector<1x8x128xf32>
    %broadcast_in_dim3A_219 = vector.broadcast %broadcast_in_dim3A_218 : vector<1x8x128xf32> to vector<128x8x128xf32>
    %reshape3A_220 = vector.shape_cast %broadcast_in_dim3A_219 : vector<128x8x128xf32> to vector<1024x128xf32>
    %add3A_221 = arith.addf %broadcast_in_dim3A_6, %reshape3A_220 : vector<1024x128xf32>
    %slice3A_222 = vector.extract_strided_slice %dot_general3A_10 {offsets = [0, 2176], sizes = [1024, 128], strides = [1, 1]} : vector<1024x8192xf32> to vector<1024x128xf32>
    %add3A_223 = arith.addf %add3A_221, %slice3A_222 : vector<1024x128xf32>
    %get3A_224 = arith.constant 18 : index
    %get3A_225 = arith.constant 0 : index
    %get3A_226 = arith.constant 0 : index
    %get3A_227 = vector.load %arg9[%get3A_224, %get3A_225, %get3A_226] : memref<64x8x128xf32, #tpu.memory_space<vmem>>, vector<1x8x128xf32>
    %get3A_228 = vector.shape_cast %get3A_227 : vector<1x8x128xf32> to vector<8x128xf32>
    %broadcast_in_dim3A_229 = vector.shape_cast %get3A_228 : vector<8x128xf32> to vector<1x8x128xf32>
    %broadcast_in_dim3A_230 = vector.shape_cast %broadcast_in_dim3A_229 : vector<1x8x128xf32> to vector<1x8x128xf32>
    %broadcast_in_dim3A_231 = vector.broadcast %broadcast_in_dim3A_230 : vector<1x8x128xf32> to vector<128x8x128xf32>
    %reshape3A_232 = vector.shape_cast %broadcast_in_dim3A_231 : vector<128x8x128xf32> to vector<1024x128xf32>
    %add3A_233 = arith.addf %broadcast_in_dim3A_6, %reshape3A_232 : vector<1024x128xf32>
    %slice3A_234 = vector.extract_strided_slice %dot_general3A_10 {offsets = [0, 2304], sizes = [1024, 128], strides = [1, 1]} : vector<1024x8192xf32> to vector<1024x128xf32>
    %add3A_235 = arith.addf %add3A_233, %slice3A_234 : vector<1024x128xf32>
    %get3A_236 = arith.constant 19 : index
    %get3A_237 = arith.constant 0 : index
    %get3A_238 = arith.constant 0 : index
    %get3A_239 = vector.load %arg9[%get3A_236, %get3A_237, %get3A_238] : memref<64x8x128xf32, #tpu.memory_space<vmem>>, vector<1x8x128xf32>
    %get3A_240 = vector.shape_cast %get3A_239 : vector<1x8x128xf32> to vector<8x128xf32>
    %broadcast_in_dim3A_241 = vector.shape_cast %get3A_240 : vector<8x128xf32> to vector<1x8x128xf32>
    %broadcast_in_dim3A_242 = vector.shape_cast %broadcast_in_dim3A_241 : vector<1x8x128xf32> to vector<1x8x128xf32>
    %broadcast_in_dim3A_243 = vector.broadcast %broadcast_in_dim3A_242 : vector<1x8x128xf32> to vector<128x8x128xf32>
    %reshape3A_244 = vector.shape_cast %broadcast_in_dim3A_243 : vector<128x8x128xf32> to vector<1024x128xf32>
    %add3A_245 = arith.addf %broadcast_in_dim3A_6, %reshape3A_244 : vector<1024x128xf32>
    %slice3A_246 = vector.extract_strided_slice %dot_general3A_10 {offsets = [0, 2432], sizes = [1024, 128], strides = [1, 1]} : vector<1024x8192xf32> to vector<1024x128xf32>
    %add3A_247 = arith.addf %add3A_245, %slice3A_246 : vector<1024x128xf32>
    %get3A_248 = arith.constant 20 : index
    %get3A_249 = arith.constant 0 : index
    %get3A_250 = arith.constant 0 : index
    %get3A_251 = vector.load %arg9[%get3A_248, %get3A_249, %get3A_250] : memref<64x8x128xf32, #tpu.memory_space<vmem>>, vector<1x8x128xf32>
    %get3A_252 = vector.shape_cast %get3A_251 : vector<1x8x128xf32> to vector<8x128xf32>
    %broadcast_in_dim3A_253 = vector.shape_cast %get3A_252 : vector<8x128xf32> to vector<1x8x128xf32>
    %broadcast_in_dim3A_254 = vector.shape_cast %broadcast_in_dim3A_253 : vector<1x8x128xf32> to vector<1x8x128xf32>
    %broadcast_in_dim3A_255 = vector.broadcast %broadcast_in_dim3A_254 : vector<1x8x128xf32> to vector<128x8x128xf32>
    %reshape3A_256 = vector.shape_cast %broadcast_in_dim3A_255 : vector<128x8x128xf32> to vector<1024x128xf32>
    %add3A_257 = arith.addf %broadcast_in_dim3A_6, %reshape3A_256 : vector<1024x128xf32>
    %slice3A_258 = vector.extract_strided_slice %dot_general3A_10 {offsets = [0, 2560], sizes = [1024, 128], strides = [1, 1]} : vector<1024x8192xf32> to vector<1024x128xf32>
    %add3A_259 = arith.addf %add3A_257, %slice3A_258 : vector<1024x128xf32>
    %get3A_260 = arith.constant 21 : index
    %get3A_261 = arith.constant 0 : index
    %get3A_262 = arith.constant 0 : index
    %get3A_263 = vector.load %arg9[%get3A_260, %get3A_261, %get3A_262] : memref<64x8x128xf32, #tpu.memory_space<vmem>>, vector<1x8x128xf32>
    %get3A_264 = vector.shape_cast %get3A_263 : vector<1x8x128xf32> to vector<8x128xf32>
    %broadcast_in_dim3A_265 = vector.shape_cast %get3A_264 : vector<8x128xf32> to vector<1x8x128xf32>
    %broadcast_in_dim3A_266 = vector.shape_cast %broadcast_in_dim3A_265 : vector<1x8x128xf32> to vector<1x8x128xf32>
    %broadcast_in_dim3A_267 = vector.broadcast %broadcast_in_dim3A_266 : vector<1x8x128xf32> to vector<128x8x128xf32>
    %reshape3A_268 = vector.shape_cast %broadcast_in_dim3A_267 : vector<128x8x128xf32> to vector<1024x128xf32>
    %add3A_269 = arith.addf %broadcast_in_dim3A_6, %reshape3A_268 : vector<1024x128xf32>
    %slice3A_270 = vector.extract_strided_slice %dot_general3A_10 {offsets = [0, 2688], sizes = [1024, 128], strides = [1, 1]} : vector<1024x8192xf32> to vector<1024x128xf32>
    %add3A_271 = arith.addf %add3A_269, %slice3A_270 : vector<1024x128xf32>
    %get3A_272 = arith.constant 22 : index
    %get3A_273 = arith.constant 0 : index
    %get3A_274 = arith.constant 0 : index
    %get3A_275 = vector.load %arg9[%get3A_272, %get3A_273, %get3A_274] : memref<64x8x128xf32, #tpu.memory_space<vmem>>, vector<1x8x128xf32>
    %get3A_276 = vector.shape_cast %get3A_275 : vector<1x8x128xf32> to vector<8x128xf32>
    %broadcast_in_dim3A_277 = vector.shape_cast %get3A_276 : vector<8x128xf32> to vector<1x8x128xf32>
    %broadcast_in_dim3A_278 = vector.shape_cast %broadcast_in_dim3A_277 : vector<1x8x128xf32> to vector<1x8x128xf32>
    %broadcast_in_dim3A_279 = vector.broadcast %broadcast_in_dim3A_278 : vector<1x8x128xf32> to vector<128x8x128xf32>
    %reshape3A_280 = vector.shape_cast %broadcast_in_dim3A_279 : vector<128x8x128xf32> to vector<1024x128xf32>
    %add3A_281 = arith.addf %broadcast_in_dim3A_6, %reshape3A_280 : vector<1024x128xf32>
    %slice3A_282 = vector.extract_strided_slice %dot_general3A_10 {offsets = [0, 2816], sizes = [1024, 128], strides = [1, 1]} : vector<1024x8192xf32> to vector<1024x128xf32>
    %add3A_283 = arith.addf %add3A_281, %slice3A_282 : vector<1024x128xf32>
    %get3A_284 = arith.constant 23 : index
    %get3A_285 = arith.constant 0 : index
    %get3A_286 = arith.constant 0 : index
    %get3A_287 = vector.load %arg9[%get3A_284, %get3A_285, %get3A_286] : memref<64x8x128xf32, #tpu.memory_space<vmem>>, vector<1x8x128xf32>
    %get3A_288 = vector.shape_cast %get3A_287 : vector<1x8x128xf32> to vector<8x128xf32>
    %broadcast_in_dim3A_289 = vector.shape_cast %get3A_288 : vector<8x128xf32> to vector<1x8x128xf32>
    %broadcast_in_dim3A_290 = vector.shape_cast %broadcast_in_dim3A_289 : vector<1x8x128xf32> to vector<1x8x128xf32>
    %broadcast_in_dim3A_291 = vector.broadcast %broadcast_in_dim3A_290 : vector<1x8x128xf32> to vector<128x8x128xf32>
    %reshape3A_292 = vector.shape_cast %broadcast_in_dim3A_291 : vector<128x8x128xf32> to vector<1024x128xf32>
    %add3A_293 = arith.addf %broadcast_in_dim3A_6, %reshape3A_292 : vector<1024x128xf32>
    %slice3A_294 = vector.extract_strided_slice %dot_general3A_10 {offsets = [0, 2944], sizes = [1024, 128], strides = [1, 1]} : vector<1024x8192xf32> to vector<1024x128xf32>
    %add3A_295 = arith.addf %add3A_293, %slice3A_294 : vector<1024x128xf32>
    %get3A_296 = arith.constant 24 : index
    %get3A_297 = arith.constant 0 : index
    %get3A_298 = arith.constant 0 : index
    %get3A_299 = vector.load %arg9[%get3A_296, %get3A_297, %get3A_298] : memref<64x8x128xf32, #tpu.memory_space<vmem>>, vector<1x8x128xf32>
    %get3A_300 = vector.shape_cast %get3A_299 : vector<1x8x128xf32> to vector<8x128xf32>
    %broadcast_in_dim3A_301 = vector.shape_cast %get3A_300 : vector<8x128xf32> to vector<1x8x128xf32>
    %broadcast_in_dim3A_302 = vector.shape_cast %broadcast_in_dim3A_301 : vector<1x8x128xf32> to vector<1x8x128xf32>
    %broadcast_in_dim3A_303 = vector.broadcast %broadcast_in_dim3A_302 : vector<1x8x128xf32> to vector<128x8x128xf32>
    %reshape3A_304 = vector.shape_cast %broadcast_in_dim3A_303 : vector<128x8x128xf32> to vector<1024x128xf32>
    %add3A_305 = arith.addf %broadcast_in_dim3A_6, %reshape3A_304 : vector<1024x128xf32>
    %slice3A_306 = vector.extract_strided_slice %dot_general3A_10 {offsets = [0, 3072], sizes = [1024, 128], strides = [1, 1]} : vector<1024x8192xf32> to vector<1024x128xf32>
    %add3A_307 = arith.addf %add3A_305, %slice3A_306 : vector<1024x128xf32>
    %get3A_308 = arith.constant 25 : index
    %get3A_309 = arith.constant 0 : index
    %get3A_310 = arith.constant 0 : index
    %get3A_311 = vector.load %arg9[%get3A_308, %get3A_309, %get3A_310] : memref<64x8x128xf32, #tpu.memory_space<vmem>>, vector<1x8x128xf32>
    %get3A_312 = vector.shape_cast %get3A_311 : vector<1x8x128xf32> to vector<8x128xf32>
    %broadcast_in_dim3A_313 = vector.shape_cast %get3A_312 : vector<8x128xf32> to vector<1x8x128xf32>
    %broadcast_in_dim3A_314 = vector.shape_cast %broadcast_in_dim3A_313 : vector<1x8x128xf32> to vector<1x8x128xf32>
    %broadcast_in_dim3A_315 = vector.broadcast %broadcast_in_dim3A_314 : vector<1x8x128xf32> to vector<128x8x128xf32>
    %reshape3A_316 = vector.shape_cast %broadcast_in_dim3A_315 : vector<128x8x128xf32> to vector<1024x128xf32>
    %add3A_317 = arith.addf %broadcast_in_dim3A_6, %reshape3A_316 : vector<1024x128xf32>
    %slice3A_318 = vector.extract_strided_slice %dot_general3A_10 {offsets = [0, 3200], sizes = [1024, 128], strides = [1, 1]} : vector<1024x8192xf32> to vector<1024x128xf32>
    %add3A_319 = arith.addf %add3A_317, %slice3A_318 : vector<1024x128xf32>
    %get3A_320 = arith.constant 26 : index
    %get3A_321 = arith.constant 0 : index
    %get3A_322 = arith.constant 0 : index
    %get3A_323 = vector.load %arg9[%get3A_320, %get3A_321, %get3A_322] : memref<64x8x128xf32, #tpu.memory_space<vmem>>, vector<1x8x128xf32>
    %get3A_324 = vector.shape_cast %get3A_323 : vector<1x8x128xf32> to vector<8x128xf32>
    %broadcast_in_dim3A_325 = vector.shape_cast %get3A_324 : vector<8x128xf32> to vector<1x8x128xf32>
    %broadcast_in_dim3A_326 = vector.shape_cast %broadcast_in_dim3A_325 : vector<1x8x128xf32> to vector<1x8x128xf32>
    %broadcast_in_dim3A_327 = vector.broadcast %broadcast_in_dim3A_326 : vector<1x8x128xf32> to vector<128x8x128xf32>
    %reshape3A_328 = vector.shape_cast %broadcast_in_dim3A_327 : vector<128x8x128xf32> to vector<1024x128xf32>
    %add3A_329 = arith.addf %broadcast_in_dim3A_6, %reshape3A_328 : vector<1024x128xf32>
    %slice3A_330 = vector.extract_strided_slice %dot_general3A_10 {offsets = [0, 3328], sizes = [1024, 128], strides = [1, 1]} : vector<1024x8192xf32> to vector<1024x128xf32>
    %add3A_331 = arith.addf %add3A_329, %slice3A_330 : vector<1024x128xf32>
    %get3A_332 = arith.constant 27 : index
    %get3A_333 = arith.constant 0 : index
    %get3A_334 = arith.constant 0 : index
    %get3A_335 = vector.load %arg9[%get3A_332, %get3A_333, %get3A_334] : memref<64x8x128xf32, #tpu.memory_space<vmem>>, vector<1x8x128xf32>
    %get3A_336 = vector.shape_cast %get3A_335 : vector<1x8x128xf32> to vector<8x128xf32>
    %broadcast_in_dim3A_337 = vector.shape_cast %get3A_336 : vector<8x128xf32> to vector<1x8x128xf32>
    %broadcast_in_dim3A_338 = vector.shape_cast %broadcast_in_dim3A_337 : vector<1x8x128xf32> to vector<1x8x128xf32>
    %broadcast_in_dim3A_339 = vector.broadcast %broadcast_in_dim3A_338 : vector<1x8x128xf32> to vector<128x8x128xf32>
    %reshape3A_340 = vector.shape_cast %broadcast_in_dim3A_339 : vector<128x8x128xf32> to vector<1024x128xf32>
    %add3A_341 = arith.addf %broadcast_in_dim3A_6, %reshape3A_340 : vector<1024x128xf32>
    %slice3A_342 = vector.extract_strided_slice %dot_general3A_10 {offsets = [0, 3456], sizes = [1024, 128], strides = [1, 1]} : vector<1024x8192xf32> to vector<1024x128xf32>
    %add3A_343 = arith.addf %add3A_341, %slice3A_342 : vector<1024x128xf32>
    %get3A_344 = arith.constant 28 : index
    %get3A_345 = arith.constant 0 : index
    %get3A_346 = arith.constant 0 : index
    %get3A_347 = vector.load %arg9[%get3A_344, %get3A_345, %get3A_346] : memref<64x8x128xf32, #tpu.memory_space<vmem>>, vector<1x8x128xf32>
    %get3A_348 = vector.shape_cast %get3A_347 : vector<1x8x128xf32> to vector<8x128xf32>
    %broadcast_in_dim3A_349 = vector.shape_cast %get3A_348 : vector<8x128xf32> to vector<1x8x128xf32>
    %broadcast_in_dim3A_350 = vector.shape_cast %broadcast_in_dim3A_349 : vector<1x8x128xf32> to vector<1x8x128xf32>
    %broadcast_in_dim3A_351 = vector.broadcast %broadcast_in_dim3A_350 : vector<1x8x128xf32> to vector<128x8x128xf32>
    %reshape3A_352 = vector.shape_cast %broadcast_in_dim3A_351 : vector<128x8x128xf32> to vector<1024x128xf32>
    %add3A_353 = arith.addf %broadcast_in_dim3A_6, %reshape3A_352 : vector<1024x128xf32>
    %slice3A_354 = vector.extract_strided_slice %dot_general3A_10 {offsets = [0, 3584], sizes = [1024, 128], strides = [1, 1]} : vector<1024x8192xf32> to vector<1024x128xf32>
    %add3A_355 = arith.addf %add3A_353, %slice3A_354 : vector<1024x128xf32>
    %get3A_356 = arith.constant 29 : index
    %get3A_357 = arith.constant 0 : index
    %get3A_358 = arith.constant 0 : index
    %get3A_359 = vector.load %arg9[%get3A_356, %get3A_357, %get3A_358] : memref<64x8x128xf32, #tpu.memory_space<vmem>>, vector<1x8x128xf32>
    %get3A_360 = vector.shape_cast %get3A_359 : vector<1x8x128xf32> to vector<8x128xf32>
    %broadcast_in_dim3A_361 = vector.shape_cast %get3A_360 : vector<8x128xf32> to vector<1x8x128xf32>
    %broadcast_in_dim3A_362 = vector.shape_cast %broadcast_in_dim3A_361 : vector<1x8x128xf32> to vector<1x8x128xf32>
    %broadcast_in_dim3A_363 = vector.broadcast %broadcast_in_dim3A_362 : vector<1x8x128xf32> to vector<128x8x128xf32>
    %reshape3A_364 = vector.shape_cast %broadcast_in_dim3A_363 : vector<128x8x128xf32> to vector<1024x128xf32>
    %add3A_365 = arith.addf %broadcast_in_dim3A_6, %reshape3A_364 : vector<1024x128xf32>
    %slice3A_366 = vector.extract_strided_slice %dot_general3A_10 {offsets = [0, 3712], sizes = [1024, 128], strides = [1, 1]} : vector<1024x8192xf32> to vector<1024x128xf32>
    %add3A_367 = arith.addf %add3A_365, %slice3A_366 : vector<1024x128xf32>
    %get3A_368 = arith.constant 30 : index
    %get3A_369 = arith.constant 0 : index
    %get3A_370 = arith.constant 0 : index
    %get3A_371 = vector.load %arg9[%get3A_368, %get3A_369, %get3A_370] : memref<64x8x128xf32, #tpu.memory_space<vmem>>, vector<1x8x128xf32>
    %get3A_372 = vector.shape_cast %get3A_371 : vector<1x8x128xf32> to vector<8x128xf32>
    %broadcast_in_dim3A_373 = vector.shape_cast %get3A_372 : vector<8x128xf32> to vector<1x8x128xf32>
    %broadcast_in_dim3A_374 = vector.shape_cast %broadcast_in_dim3A_373 : vector<1x8x128xf32> to vector<1x8x128xf32>
    %broadcast_in_dim3A_375 = vector.broadcast %broadcast_in_dim3A_374 : vector<1x8x128xf32> to vector<128x8x128xf32>
    %reshape3A_376 = vector.shape_cast %broadcast_in_dim3A_375 : vector<128x8x128xf32> to vector<1024x128xf32>
    %add3A_377 = arith.addf %broadcast_in_dim3A_6, %reshape3A_376 : vector<1024x128xf32>
    %slice3A_378 = vector.extract_strided_slice %dot_general3A_10 {offsets = [0, 3840], sizes = [1024, 128], strides = [1, 1]} : vector<1024x8192xf32> to vector<1024x128xf32>
    %add3A_379 = arith.addf %add3A_377, %slice3A_378 : vector<1024x128xf32>
    %get3A_380 = arith.constant 31 : index
    %get3A_381 = arith.constant 0 : index
    %get3A_382 = arith.constant 0 : index
    %get3A_383 = vector.load %arg9[%get3A_380, %get3A_381, %get3A_382] : memref<64x8x128xf32, #tpu.memory_space<vmem>>, vector<1x8x128xf32>
    %get3A_384 = vector.shape_cast %get3A_383 : vector<1x8x128xf32> to vector<8x128xf32>
    %broadcast_in_dim3A_385 = vector.shape_cast %get3A_384 : vector<8x128xf32> to vector<1x8x128xf32>
    %broadcast_in_dim3A_386 = vector.shape_cast %broadcast_in_dim3A_385 : vector<1x8x128xf32> to vector<1x8x128xf32>
    %broadcast_in_dim3A_387 = vector.broadcast %broadcast_in_dim3A_386 : vector<1x8x128xf32> to vector<128x8x128xf32>
    %reshape3A_388 = vector.shape_cast %broadcast_in_dim3A_387 : vector<128x8x128xf32> to vector<1024x128xf32>
    %add3A_389 = arith.addf %broadcast_in_dim3A_6, %reshape3A_388 : vector<1024x128xf32>
    %slice3A_390 = vector.extract_strided_slice %dot_general3A_10 {offsets = [0, 3968], sizes = [1024, 128], strides = [1, 1]} : vector<1024x8192xf32> to vector<1024x128xf32>
    %add3A_391 = arith.addf %add3A_389, %slice3A_390 : vector<1024x128xf32>
    %get3A_392 = arith.constant 32 : index
    %get3A_393 = arith.constant 0 : index
    %get3A_394 = arith.constant 0 : index
    %get3A_395 = vector.load %arg9[%get3A_392, %get3A_393, %get3A_394] : memref<64x8x128xf32, #tpu.memory_space<vmem>>, vector<1x8x128xf32>
    %get3A_396 = vector.shape_cast %get3A_395 : vector<1x8x128xf32> to vector<8x128xf32>
    %broadcast_in_dim3A_397 = vector.shape_cast %get3A_396 : vector<8x128xf32> to vector<1x8x128xf32>
    %broadcast_in_dim3A_398 = vector.shape_cast %broadcast_in_dim3A_397 : vector<1x8x128xf32> to vector<1x8x128xf32>
    %broadcast_in_dim3A_399 = vector.broadcast %broadcast_in_dim3A_398 : vector<1x8x128xf32> to vector<128x8x128xf32>
    %reshape3A_400 = vector.shape_cast %broadcast_in_dim3A_399 : vector<128x8x128xf32> to vector<1024x128xf32>
    %add3A_401 = arith.addf %broadcast_in_dim3A_6, %reshape3A_400 : vector<1024x128xf32>
    %slice3A_402 = vector.extract_strided_slice %dot_general3A_10 {offsets = [0, 4096], sizes = [1024, 128], strides = [1, 1]} : vector<1024x8192xf32> to vector<1024x128xf32>
    %add3A_403 = arith.addf %add3A_401, %slice3A_402 : vector<1024x128xf32>
    %get3A_404 = arith.constant 33 : index
    %get3A_405 = arith.constant 0 : index
    %get3A_406 = arith.constant 0 : index
    %get3A_407 = vector.load %arg9[%get3A_404, %get3A_405, %get3A_406] : memref<64x8x128xf32, #tpu.memory_space<vmem>>, vector<1x8x128xf32>
    %get3A_408 = vector.shape_cast %get3A_407 : vector<1x8x128xf32> to vector<8x128xf32>
    %broadcast_in_dim3A_409 = vector.shape_cast %get3A_408 : vector<8x128xf32> to vector<1x8x128xf32>
    %broadcast_in_dim3A_410 = vector.shape_cast %broadcast_in_dim3A_409 : vector<1x8x128xf32> to vector<1x8x128xf32>
    %broadcast_in_dim3A_411 = vector.broadcast %broadcast_in_dim3A_410 : vector<1x8x128xf32> to vector<128x8x128xf32>
    %reshape3A_412 = vector.shape_cast %broadcast_in_dim3A_411 : vector<128x8x128xf32> to vector<1024x128xf32>
    %add3A_413 = arith.addf %broadcast_in_dim3A_6, %reshape3A_412 : vector<1024x128xf32>
    %slice3A_414 = vector.extract_strided_slice %dot_general3A_10 {offsets = [0, 4224], sizes = [1024, 128], strides = [1, 1]} : vector<1024x8192xf32> to vector<1024x128xf32>
    %add3A_415 = arith.addf %add3A_413, %slice3A_414 : vector<1024x128xf32>
    %get3A_416 = arith.constant 34 : index
    %get3A_417 = arith.constant 0 : index
    %get3A_418 = arith.constant 0 : index
    %get3A_419 = vector.load %arg9[%get3A_416, %get3A_417, %get3A_418] : memref<64x8x128xf32, #tpu.memory_space<vmem>>, vector<1x8x128xf32>
    %get3A_420 = vector.shape_cast %get3A_419 : vector<1x8x128xf32> to vector<8x128xf32>
    %broadcast_in_dim3A_421 = vector.shape_cast %get3A_420 : vector<8x128xf32> to vector<1x8x128xf32>
    %broadcast_in_dim3A_422 = vector.shape_cast %broadcast_in_dim3A_421 : vector<1x8x128xf32> to vector<1x8x128xf32>
    %broadcast_in_dim3A_423 = vector.broadcast %broadcast_in_dim3A_422 : vector<1x8x128xf32> to vector<128x8x128xf32>
    %reshape3A_424 = vector.shape_cast %broadcast_in_dim3A_423 : vector<128x8x128xf32> to vector<1024x128xf32>
    %add3A_425 = arith.addf %broadcast_in_dim3A_6, %reshape3A_424 : vector<1024x128xf32>
    %slice3A_426 = vector.extract_strided_slice %dot_general3A_10 {offsets = [0, 4352], sizes = [1024, 128], strides = [1, 1]} : vector<1024x8192xf32> to vector<1024x128xf32>
    %add3A_427 = arith.addf %add3A_425, %slice3A_426 : vector<1024x128xf32>
    %get3A_428 = arith.constant 35 : index
    %get3A_429 = arith.constant 0 : index
    %get3A_430 = arith.constant 0 : index
    %get3A_431 = vector.load %arg9[%get3A_428, %get3A_429, %get3A_430] : memref<64x8x128xf32, #tpu.memory_space<vmem>>, vector<1x8x128xf32>
    %get3A_432 = vector.shape_cast %get3A_431 : vector<1x8x128xf32> to vector<8x128xf32>
    %broadcast_in_dim3A_433 = vector.shape_cast %get3A_432 : vector<8x128xf32> to vector<1x8x128xf32>
    %broadcast_in_dim3A_434 = vector.shape_cast %broadcast_in_dim3A_433 : vector<1x8x128xf32> to vector<1x8x128xf32>
    %broadcast_in_dim3A_435 = vector.broadcast %broadcast_in_dim3A_434 : vector<1x8x128xf32> to vector<128x8x128xf32>
    %reshape3A_436 = vector.shape_cast %broadcast_in_dim3A_435 : vector<128x8x128xf32> to vector<1024x128xf32>
    %add3A_437 = arith.addf %broadcast_in_dim3A_6, %reshape3A_436 : vector<1024x128xf32>
    %slice3A_438 = vector.extract_strided_slice %dot_general3A_10 {offsets = [0, 4480], sizes = [1024, 128], strides = [1, 1]} : vector<1024x8192xf32> to vector<1024x128xf32>
    %add3A_439 = arith.addf %add3A_437, %slice3A_438 : vector<1024x128xf32>
    %get3A_440 = arith.constant 36 : index
    %get3A_441 = arith.constant 0 : index
    %get3A_442 = arith.constant 0 : index
    %get3A_443 = vector.load %arg9[%get3A_440, %get3A_441, %get3A_442] : memref<64x8x128xf32, #tpu.memory_space<vmem>>, vector<1x8x128xf32>
    %get3A_444 = vector.shape_cast %get3A_443 : vector<1x8x128xf32> to vector<8x128xf32>
    %broadcast_in_dim3A_445 = vector.shape_cast %get3A_444 : vector<8x128xf32> to vector<1x8x128xf32>
    %broadcast_in_dim3A_446 = vector.shape_cast %broadcast_in_dim3A_445 : vector<1x8x128xf32> to vector<1x8x128xf32>
    %broadcast_in_dim3A_447 = vector.broadcast %broadcast_in_dim3A_446 : vector<1x8x128xf32> to vector<128x8x128xf32>
    %reshape3A_448 = vector.shape_cast %broadcast_in_dim3A_447 : vector<128x8x128xf32> to vector<1024x128xf32>
    %add3A_449 = arith.addf %broadcast_in_dim3A_6, %reshape3A_448 : vector<1024x128xf32>
    %slice3A_450 = vector.extract_strided_slice %dot_general3A_10 {offsets = [0, 4608], sizes = [1024, 128], strides = [1, 1]} : vector<1024x8192xf32> to vector<1024x128xf32>
    %add3A_451 = arith.addf %add3A_449, %slice3A_450 : vector<1024x128xf32>
    %get3A_452 = arith.constant 37 : index
    %get3A_453 = arith.constant 0 : index
    %get3A_454 = arith.constant 0 : index
    %get3A_455 = vector.load %arg9[%get3A_452, %get3A_453, %get3A_454] : memref<64x8x128xf32, #tpu.memory_space<vmem>>, vector<1x8x128xf32>
    %get3A_456 = vector.shape_cast %get3A_455 : vector<1x8x128xf32> to vector<8x128xf32>
    %broadcast_in_dim3A_457 = vector.shape_cast %get3A_456 : vector<8x128xf32> to vector<1x8x128xf32>
    %broadcast_in_dim3A_458 = vector.shape_cast %broadcast_in_dim3A_457 : vector<1x8x128xf32> to vector<1x8x128xf32>
    %broadcast_in_dim3A_459 = vector.broadcast %broadcast_in_dim3A_458 : vector<1x8x128xf32> to vector<128x8x128xf32>
    %reshape3A_460 = vector.shape_cast %broadcast_in_dim3A_459 : vector<128x8x128xf32> to vector<1024x128xf32>
    %add3A_461 = arith.addf %broadcast_in_dim3A_6, %reshape3A_460 : vector<1024x128xf32>
    %slice3A_462 = vector.extract_strided_slice %dot_general3A_10 {offsets = [0, 4736], sizes = [1024, 128], strides = [1, 1]} : vector<1024x8192xf32> to vector<1024x128xf32>
    %add3A_463 = arith.addf %add3A_461, %slice3A_462 : vector<1024x128xf32>
    %get3A_464 = arith.constant 38 : index
    %get3A_465 = arith.constant 0 : index
    %get3A_466 = arith.constant 0 : index
    %get3A_467 = vector.load %arg9[%get3A_464, %get3A_465, %get3A_466] : memref<64x8x128xf32, #tpu.memory_space<vmem>>, vector<1x8x128xf32>
    %get3A_468 = vector.shape_cast %get3A_467 : vector<1x8x128xf32> to vector<8x128xf32>
    %broadcast_in_dim3A_469 = vector.shape_cast %get3A_468 : vector<8x128xf32> to vector<1x8x128xf32>
    %broadcast_in_dim3A_470 = vector.shape_cast %broadcast_in_dim3A_469 : vector<1x8x128xf32> to vector<1x8x128xf32>
    %broadcast_in_dim3A_471 = vector.broadcast %broadcast_in_dim3A_470 : vector<1x8x128xf32> to vector<128x8x128xf32>
    %reshape3A_472 = vector.shape_cast %broadcast_in_dim3A_471 : vector<128x8x128xf32> to vector<1024x128xf32>
    %add3A_473 = arith.addf %broadcast_in_dim3A_6, %reshape3A_472 : vector<1024x128xf32>
    %slice3A_474 = vector.extract_strided_slice %dot_general3A_10 {offsets = [0, 4864], sizes = [1024, 128], strides = [1, 1]} : vector<1024x8192xf32> to vector<1024x128xf32>
    %add3A_475 = arith.addf %add3A_473, %slice3A_474 : vector<1024x128xf32>
    %get3A_476 = arith.constant 39 : index
    %get3A_477 = arith.constant 0 : index
    %get3A_478 = arith.constant 0 : index
    %get3A_479 = vector.load %arg9[%get3A_476, %get3A_477, %get3A_478] : memref<64x8x128xf32, #tpu.memory_space<vmem>>, vector<1x8x128xf32>
    %get3A_480 = vector.shape_cast %get3A_479 : vector<1x8x128xf32> to vector<8x128xf32>
    %broadcast_in_dim3A_481 = vector.shape_cast %get3A_480 : vector<8x128xf32> to vector<1x8x128xf32>
    %broadcast_in_dim3A_482 = vector.shape_cast %broadcast_in_dim3A_481 : vector<1x8x128xf32> to vector<1x8x128xf32>
    %broadcast_in_dim3A_483 = vector.broadcast %broadcast_in_dim3A_482 : vector<1x8x128xf32> to vector<128x8x128xf32>
    %reshape3A_484 = vector.shape_cast %broadcast_in_dim3A_483 : vector<128x8x128xf32> to vector<1024x128xf32>
    %add3A_485 = arith.addf %broadcast_in_dim3A_6, %reshape3A_484 : vector<1024x128xf32>
    %slice3A_486 = vector.extract_strided_slice %dot_general3A_10 {offsets = [0, 4992], sizes = [1024, 128], strides = [1, 1]} : vector<1024x8192xf32> to vector<1024x128xf32>
    %add3A_487 = arith.addf %add3A_485, %slice3A_486 : vector<1024x128xf32>
    %get3A_488 = arith.constant 40 : index
    %get3A_489 = arith.constant 0 : index
    %get3A_490 = arith.constant 0 : index
    %get3A_491 = vector.load %arg9[%get3A_488, %get3A_489, %get3A_490] : memref<64x8x128xf32, #tpu.memory_space<vmem>>, vector<1x8x128xf32>
    %get3A_492 = vector.shape_cast %get3A_491 : vector<1x8x128xf32> to vector<8x128xf32>
    %broadcast_in_dim3A_493 = vector.shape_cast %get3A_492 : vector<8x128xf32> to vector<1x8x128xf32>
    %broadcast_in_dim3A_494 = vector.shape_cast %broadcast_in_dim3A_493 : vector<1x8x128xf32> to vector<1x8x128xf32>
    %broadcast_in_dim3A_495 = vector.broadcast %broadcast_in_dim3A_494 : vector<1x8x128xf32> to vector<128x8x128xf32>
    %reshape3A_496 = vector.shape_cast %broadcast_in_dim3A_495 : vector<128x8x128xf32> to vector<1024x128xf32>
    %add3A_497 = arith.addf %broadcast_in_dim3A_6, %reshape3A_496 : vector<1024x128xf32>
    %slice3A_498 = vector.extract_strided_slice %dot_general3A_10 {offsets = [0, 5120], sizes = [1024, 128], strides = [1, 1]} : vector<1024x8192xf32> to vector<1024x128xf32>
    %add3A_499 = arith.addf %add3A_497, %slice3A_498 : vector<1024x128xf32>
    %get3A_500 = arith.constant 41 : index
    %get3A_501 = arith.constant 0 : index
    %get3A_502 = arith.constant 0 : index
    %get3A_503 = vector.load %arg9[%get3A_500, %get3A_501, %get3A_502] : memref<64x8x128xf32, #tpu.memory_space<vmem>>, vector<1x8x128xf32>
    %get3A_504 = vector.shape_cast %get3A_503 : vector<1x8x128xf32> to vector<8x128xf32>
    %broadcast_in_dim3A_505 = vector.shape_cast %get3A_504 : vector<8x128xf32> to vector<1x8x128xf32>
    %broadcast_in_dim3A_506 = vector.shape_cast %broadcast_in_dim3A_505 : vector<1x8x128xf32> to vector<1x8x128xf32>
    %broadcast_in_dim3A_507 = vector.broadcast %broadcast_in_dim3A_506 : vector<1x8x128xf32> to vector<128x8x128xf32>
    %reshape3A_508 = vector.shape_cast %broadcast_in_dim3A_507 : vector<128x8x128xf32> to vector<1024x128xf32>
    %add3A_509 = arith.addf %broadcast_in_dim3A_6, %reshape3A_508 : vector<1024x128xf32>
    %slice3A_510 = vector.extract_strided_slice %dot_general3A_10 {offsets = [0, 5248], sizes = [1024, 128], strides = [1, 1]} : vector<1024x8192xf32> to vector<1024x128xf32>
    %add3A_511 = arith.addf %add3A_509, %slice3A_510 : vector<1024x128xf32>
    %get3A_512 = arith.constant 42 : index
    %get3A_513 = arith.constant 0 : index
    %get3A_514 = arith.constant 0 : index
    %get3A_515 = vector.load %arg9[%get3A_512, %get3A_513, %get3A_514] : memref<64x8x128xf32, #tpu.memory_space<vmem>>, vector<1x8x128xf32>
    %get3A_516 = vector.shape_cast %get3A_515 : vector<1x8x128xf32> to vector<8x128xf32>
    %broadcast_in_dim3A_517 = vector.shape_cast %get3A_516 : vector<8x128xf32> to vector<1x8x128xf32>
    %broadcast_in_dim3A_518 = vector.shape_cast %broadcast_in_dim3A_517 : vector<1x8x128xf32> to vector<1x8x128xf32>
    %broadcast_in_dim3A_519 = vector.broadcast %broadcast_in_dim3A_518 : vector<1x8x128xf32> to vector<128x8x128xf32>
    %reshape3A_520 = vector.shape_cast %broadcast_in_dim3A_519 : vector<128x8x128xf32> to vector<1024x128xf32>
    %add3A_521 = arith.addf %broadcast_in_dim3A_6, %reshape3A_520 : vector<1024x128xf32>
    %slice3A_522 = vector.extract_strided_slice %dot_general3A_10 {offsets = [0, 5376], sizes = [1024, 128], strides = [1, 1]} : vector<1024x8192xf32> to vector<1024x128xf32>
    %add3A_523 = arith.addf %add3A_521, %slice3A_522 : vector<1024x128xf32>
    %get3A_524 = arith.constant 43 : index
    %get3A_525 = arith.constant 0 : index
    %get3A_526 = arith.constant 0 : index
    %get3A_527 = vector.load %arg9[%get3A_524, %get3A_525, %get3A_526] : memref<64x8x128xf32, #tpu.memory_space<vmem>>, vector<1x8x128xf32>
    %get3A_528 = vector.shape_cast %get3A_527 : vector<1x8x128xf32> to vector<8x128xf32>
    %broadcast_in_dim3A_529 = vector.shape_cast %get3A_528 : vector<8x128xf32> to vector<1x8x128xf32>
    %broadcast_in_dim3A_530 = vector.shape_cast %broadcast_in_dim3A_529 : vector<1x8x128xf32> to vector<1x8x128xf32>
    %broadcast_in_dim3A_531 = vector.broadcast %broadcast_in_dim3A_530 : vector<1x8x128xf32> to vector<128x8x128xf32>
    %reshape3A_532 = vector.shape_cast %broadcast_in_dim3A_531 : vector<128x8x128xf32> to vector<1024x128xf32>
    %add3A_533 = arith.addf %broadcast_in_dim3A_6, %reshape3A_532 : vector<1024x128xf32>
    %slice3A_534 = vector.extract_strided_slice %dot_general3A_10 {offsets = [0, 5504], sizes = [1024, 128], strides = [1, 1]} : vector<1024x8192xf32> to vector<1024x128xf32>
    %add3A_535 = arith.addf %add3A_533, %slice3A_534 : vector<1024x128xf32>
    %get3A_536 = arith.constant 44 : index
    %get3A_537 = arith.constant 0 : index
    %get3A_538 = arith.constant 0 : index
    %get3A_539 = vector.load %arg9[%get3A_536, %get3A_537, %get3A_538] : memref<64x8x128xf32, #tpu.memory_space<vmem>>, vector<1x8x128xf32>
    %get3A_540 = vector.shape_cast %get3A_539 : vector<1x8x128xf32> to vector<8x128xf32>
    %broadcast_in_dim3A_541 = vector.shape_cast %get3A_540 : vector<8x128xf32> to vector<1x8x128xf32>
    %broadcast_in_dim3A_542 = vector.shape_cast %broadcast_in_dim3A_541 : vector<1x8x128xf32> to vector<1x8x128xf32>
    %broadcast_in_dim3A_543 = vector.broadcast %broadcast_in_dim3A_542 : vector<1x8x128xf32> to vector<128x8x128xf32>
    %reshape3A_544 = vector.shape_cast %broadcast_in_dim3A_543 : vector<128x8x128xf32> to vector<1024x128xf32>
    %add3A_545 = arith.addf %broadcast_in_dim3A_6, %reshape3A_544 : vector<1024x128xf32>
    %slice3A_546 = vector.extract_strided_slice %dot_general3A_10 {offsets = [0, 5632], sizes = [1024, 128], strides = [1, 1]} : vector<1024x8192xf32> to vector<1024x128xf32>
    %add3A_547 = arith.addf %add3A_545, %slice3A_546 : vector<1024x128xf32>
    %get3A_548 = arith.constant 45 : index
    %get3A_549 = arith.constant 0 : index
    %get3A_550 = arith.constant 0 : index
    %get3A_551 = vector.load %arg9[%get3A_548, %get3A_549, %get3A_550] : memref<64x8x128xf32, #tpu.memory_space<vmem>>, vector<1x8x128xf32>
    %get3A_552 = vector.shape_cast %get3A_551 : vector<1x8x128xf32> to vector<8x128xf32>
    %broadcast_in_dim3A_553 = vector.shape_cast %get3A_552 : vector<8x128xf32> to vector<1x8x128xf32>
    %broadcast_in_dim3A_554 = vector.shape_cast %broadcast_in_dim3A_553 : vector<1x8x128xf32> to vector<1x8x128xf32>
    %broadcast_in_dim3A_555 = vector.broadcast %broadcast_in_dim3A_554 : vector<1x8x128xf32> to vector<128x8x128xf32>
    %reshape3A_556 = vector.shape_cast %broadcast_in_dim3A_555 : vector<128x8x128xf32> to vector<1024x128xf32>
    %add3A_557 = arith.addf %broadcast_in_dim3A_6, %reshape3A_556 : vector<1024x128xf32>
    %slice3A_558 = vector.extract_strided_slice %dot_general3A_10 {offsets = [0, 5760], sizes = [1024, 128], strides = [1, 1]} : vector<1024x8192xf32> to vector<1024x128xf32>
    %add3A_559 = arith.addf %add3A_557, %slice3A_558 : vector<1024x128xf32>
    %get3A_560 = arith.constant 46 : index
    %get3A_561 = arith.constant 0 : index
    %get3A_562 = arith.constant 0 : index
    %get3A_563 = vector.load %arg9[%get3A_560, %get3A_561, %get3A_562] : memref<64x8x128xf32, #tpu.memory_space<vmem>>, vector<1x8x128xf32>
    %get3A_564 = vector.shape_cast %get3A_563 : vector<1x8x128xf32> to vector<8x128xf32>
    %broadcast_in_dim3A_565 = vector.shape_cast %get3A_564 : vector<8x128xf32> to vector<1x8x128xf32>
    %broadcast_in_dim3A_566 = vector.shape_cast %broadcast_in_dim3A_565 : vector<1x8x128xf32> to vector<1x8x128xf32>
    %broadcast_in_dim3A_567 = vector.broadcast %broadcast_in_dim3A_566 : vector<1x8x128xf32> to vector<128x8x128xf32>
    %reshape3A_568 = vector.shape_cast %broadcast_in_dim3A_567 : vector<128x8x128xf32> to vector<1024x128xf32>
    %add3A_569 = arith.addf %broadcast_in_dim3A_6, %reshape3A_568 : vector<1024x128xf32>
    %slice3A_570 = vector.extract_strided_slice %dot_general3A_10 {offsets = [0, 5888], sizes = [1024, 128], strides = [1, 1]} : vector<1024x8192xf32> to vector<1024x128xf32>
    %add3A_571 = arith.addf %add3A_569, %slice3A_570 : vector<1024x128xf32>
    %get3A_572 = arith.constant 47 : index
    %get3A_573 = arith.constant 0 : index
    %get3A_574 = arith.constant 0 : index
    %get3A_575 = vector.load %arg9[%get3A_572, %get3A_573, %get3A_574] : memref<64x8x128xf32, #tpu.memory_space<vmem>>, vector<1x8x128xf32>
    %get3A_576 = vector.shape_cast %get3A_575 : vector<1x8x128xf32> to vector<8x128xf32>
    %broadcast_in_dim3A_577 = vector.shape_cast %get3A_576 : vector<8x128xf32> to vector<1x8x128xf32>
    %broadcast_in_dim3A_578 = vector.shape_cast %broadcast_in_dim3A_577 : vector<1x8x128xf32> to vector<1x8x128xf32>
    %broadcast_in_dim3A_579 = vector.broadcast %broadcast_in_dim3A_578 : vector<1x8x128xf32> to vector<128x8x128xf32>
    %reshape3A_580 = vector.shape_cast %broadcast_in_dim3A_579 : vector<128x8x128xf32> to vector<1024x128xf32>
    %add3A_581 = arith.addf %broadcast_in_dim3A_6, %reshape3A_580 : vector<1024x128xf32>
    %slice3A_582 = vector.extract_strided_slice %dot_general3A_10 {offsets = [0, 6016], sizes = [1024, 128], strides = [1, 1]} : vector<1024x8192xf32> to vector<1024x128xf32>
    %add3A_583 = arith.addf %add3A_581, %slice3A_582 : vector<1024x128xf32>
    %get3A_584 = arith.constant 48 : index
    %get3A_585 = arith.constant 0 : index
    %get3A_586 = arith.constant 0 : index
    %get3A_587 = vector.load %arg9[%get3A_584, %get3A_585, %get3A_586] : memref<64x8x128xf32, #tpu.memory_space<vmem>>, vector<1x8x128xf32>
    %get3A_588 = vector.shape_cast %get3A_587 : vector<1x8x128xf32> to vector<8x128xf32>
    %broadcast_in_dim3A_589 = vector.shape_cast %get3A_588 : vector<8x128xf32> to vector<1x8x128xf32>
    %broadcast_in_dim3A_590 = vector.shape_cast %broadcast_in_dim3A_589 : vector<1x8x128xf32> to vector<1x8x128xf32>
    %broadcast_in_dim3A_591 = vector.broadcast %broadcast_in_dim3A_590 : vector<1x8x128xf32> to vector<128x8x128xf32>
    %reshape3A_592 = vector.shape_cast %broadcast_in_dim3A_591 : vector<128x8x128xf32> to vector<1024x128xf32>
    %add3A_593 = arith.addf %broadcast_in_dim3A_6, %reshape3A_592 : vector<1024x128xf32>
    %slice3A_594 = vector.extract_strided_slice %dot_general3A_10 {offsets = [0, 6144], sizes = [1024, 128], strides = [1, 1]} : vector<1024x8192xf32> to vector<1024x128xf32>
    %add3A_595 = arith.addf %add3A_593, %slice3A_594 : vector<1024x128xf32>
    %get3A_596 = arith.constant 49 : index
    %get3A_597 = arith.constant 0 : index
    %get3A_598 = arith.constant 0 : index
    %get3A_599 = vector.load %arg9[%get3A_596, %get3A_597, %get3A_598] : memref<64x8x128xf32, #tpu.memory_space<vmem>>, vector<1x8x128xf32>
    %get3A_600 = vector.shape_cast %get3A_599 : vector<1x8x128xf32> to vector<8x128xf32>
    %broadcast_in_dim3A_601 = vector.shape_cast %get3A_600 : vector<8x128xf32> to vector<1x8x128xf32>
    %broadcast_in_dim3A_602 = vector.shape_cast %broadcast_in_dim3A_601 : vector<1x8x128xf32> to vector<1x8x128xf32>
    %broadcast_in_dim3A_603 = vector.broadcast %broadcast_in_dim3A_602 : vector<1x8x128xf32> to vector<128x8x128xf32>
    %reshape3A_604 = vector.shape_cast %broadcast_in_dim3A_603 : vector<128x8x128xf32> to vector<1024x128xf32>
    %add3A_605 = arith.addf %broadcast_in_dim3A_6, %reshape3A_604 : vector<1024x128xf32>
    %slice3A_606 = vector.extract_strided_slice %dot_general3A_10 {offsets = [0, 6272], sizes = [1024, 128], strides = [1, 1]} : vector<1024x8192xf32> to vector<1024x128xf32>
    %add3A_607 = arith.addf %add3A_605, %slice3A_606 : vector<1024x128xf32>
    %get3A_608 = arith.constant 50 : index
    %get3A_609 = arith.constant 0 : index
    %get3A_610 = arith.constant 0 : index
    %get3A_611 = vector.load %arg9[%get3A_608, %get3A_609, %get3A_610] : memref<64x8x128xf32, #tpu.memory_space<vmem>>, vector<1x8x128xf32>
    %get3A_612 = vector.shape_cast %get3A_611 : vector<1x8x128xf32> to vector<8x128xf32>
    %broadcast_in_dim3A_613 = vector.shape_cast %get3A_612 : vector<8x128xf32> to vector<1x8x128xf32>
    %broadcast_in_dim3A_614 = vector.shape_cast %broadcast_in_dim3A_613 : vector<1x8x128xf32> to vector<1x8x128xf32>
    %broadcast_in_dim3A_615 = vector.broadcast %broadcast_in_dim3A_614 : vector<1x8x128xf32> to vector<128x8x128xf32>
    %reshape3A_616 = vector.shape_cast %broadcast_in_dim3A_615 : vector<128x8x128xf32> to vector<1024x128xf32>
    %add3A_617 = arith.addf %broadcast_in_dim3A_6, %reshape3A_616 : vector<1024x128xf32>
    %slice3A_618 = vector.extract_strided_slice %dot_general3A_10 {offsets = [0, 6400], sizes = [1024, 128], strides = [1, 1]} : vector<1024x8192xf32> to vector<1024x128xf32>
    %add3A_619 = arith.addf %add3A_617, %slice3A_618 : vector<1024x128xf32>
    %get3A_620 = arith.constant 51 : index
    %get3A_621 = arith.constant 0 : index
    %get3A_622 = arith.constant 0 : index
    %get3A_623 = vector.load %arg9[%get3A_620, %get3A_621, %get3A_622] : memref<64x8x128xf32, #tpu.memory_space<vmem>>, vector<1x8x128xf32>
    %get3A_624 = vector.shape_cast %get3A_623 : vector<1x8x128xf32> to vector<8x128xf32>
    %broadcast_in_dim3A_625 = vector.shape_cast %get3A_624 : vector<8x128xf32> to vector<1x8x128xf32>
    %broadcast_in_dim3A_626 = vector.shape_cast %broadcast_in_dim3A_625 : vector<1x8x128xf32> to vector<1x8x128xf32>
    %broadcast_in_dim3A_627 = vector.broadcast %broadcast_in_dim3A_626 : vector<1x8x128xf32> to vector<128x8x128xf32>
    %reshape3A_628 = vector.shape_cast %broadcast_in_dim3A_627 : vector<128x8x128xf32> to vector<1024x128xf32>
    %add3A_629 = arith.addf %broadcast_in_dim3A_6, %reshape3A_628 : vector<1024x128xf32>
    %slice3A_630 = vector.extract_strided_slice %dot_general3A_10 {offsets = [0, 6528], sizes = [1024, 128], strides = [1, 1]} : vector<1024x8192xf32> to vector<1024x128xf32>
    %add3A_631 = arith.addf %add3A_629, %slice3A_630 : vector<1024x128xf32>
    %get3A_632 = arith.constant 52 : index
    %get3A_633 = arith.constant 0 : index
    %get3A_634 = arith.constant 0 : index
    %get3A_635 = vector.load %arg9[%get3A_632, %get3A_633, %get3A_634] : memref<64x8x128xf32, #tpu.memory_space<vmem>>, vector<1x8x128xf32>
    %get3A_636 = vector.shape_cast %get3A_635 : vector<1x8x128xf32> to vector<8x128xf32>
    %broadcast_in_dim3A_637 = vector.shape_cast %get3A_636 : vector<8x128xf32> to vector<1x8x128xf32>
    %broadcast_in_dim3A_638 = vector.shape_cast %broadcast_in_dim3A_637 : vector<1x8x128xf32> to vector<1x8x128xf32>
    %broadcast_in_dim3A_639 = vector.broadcast %broadcast_in_dim3A_638 : vector<1x8x128xf32> to vector<128x8x128xf32>
    %reshape3A_640 = vector.shape_cast %broadcast_in_dim3A_639 : vector<128x8x128xf32> to vector<1024x128xf32>
    %add3A_641 = arith.addf %broadcast_in_dim3A_6, %reshape3A_640 : vector<1024x128xf32>
    %slice3A_642 = vector.extract_strided_slice %dot_general3A_10 {offsets = [0, 6656], sizes = [1024, 128], strides = [1, 1]} : vector<1024x8192xf32> to vector<1024x128xf32>
    %add3A_643 = arith.addf %add3A_641, %slice3A_642 : vector<1024x128xf32>
    %get3A_644 = arith.constant 53 : index
    %get3A_645 = arith.constant 0 : index
    %get3A_646 = arith.constant 0 : index
    %get3A_647 = vector.load %arg9[%get3A_644, %get3A_645, %get3A_646] : memref<64x8x128xf32, #tpu.memory_space<vmem>>, vector<1x8x128xf32>
    %get3A_648 = vector.shape_cast %get3A_647 : vector<1x8x128xf32> to vector<8x128xf32>
    %broadcast_in_dim3A_649 = vector.shape_cast %get3A_648 : vector<8x128xf32> to vector<1x8x128xf32>
    %broadcast_in_dim3A_650 = vector.shape_cast %broadcast_in_dim3A_649 : vector<1x8x128xf32> to vector<1x8x128xf32>
    %broadcast_in_dim3A_651 = vector.broadcast %broadcast_in_dim3A_650 : vector<1x8x128xf32> to vector<128x8x128xf32>
    %reshape3A_652 = vector.shape_cast %broadcast_in_dim3A_651 : vector<128x8x128xf32> to vector<1024x128xf32>
    %add3A_653 = arith.addf %broadcast_in_dim3A_6, %reshape3A_652 : vector<1024x128xf32>
    %slice3A_654 = vector.extract_strided_slice %dot_general3A_10 {offsets = [0, 6784], sizes = [1024, 128], strides = [1, 1]} : vector<1024x8192xf32> to vector<1024x128xf32>
    %add3A_655 = arith.addf %add3A_653, %slice3A_654 : vector<1024x128xf32>
    %get3A_656 = arith.constant 54 : index
    %get3A_657 = arith.constant 0 : index
    %get3A_658 = arith.constant 0 : index
    %get3A_659 = vector.load %arg9[%get3A_656, %get3A_657, %get3A_658] : memref<64x8x128xf32, #tpu.memory_space<vmem>>, vector<1x8x128xf32>
    %get3A_660 = vector.shape_cast %get3A_659 : vector<1x8x128xf32> to vector<8x128xf32>
    %broadcast_in_dim3A_661 = vector.shape_cast %get3A_660 : vector<8x128xf32> to vector<1x8x128xf32>
    %broadcast_in_dim3A_662 = vector.shape_cast %broadcast_in_dim3A_661 : vector<1x8x128xf32> to vector<1x8x128xf32>
    %broadcast_in_dim3A_663 = vector.broadcast %broadcast_in_dim3A_662 : vector<1x8x128xf32> to vector<128x8x128xf32>
    %reshape3A_664 = vector.shape_cast %broadcast_in_dim3A_663 : vector<128x8x128xf32> to vector<1024x128xf32>
    %add3A_665 = arith.addf %broadcast_in_dim3A_6, %reshape3A_664 : vector<1024x128xf32>
    %slice3A_666 = vector.extract_strided_slice %dot_general3A_10 {offsets = [0, 6912], sizes = [1024, 128], strides = [1, 1]} : vector<1024x8192xf32> to vector<1024x128xf32>
    %add3A_667 = arith.addf %add3A_665, %slice3A_666 : vector<1024x128xf32>
    %get3A_668 = arith.constant 55 : index
    %get3A_669 = arith.constant 0 : index
    %get3A_670 = arith.constant 0 : index
    %get3A_671 = vector.load %arg9[%get3A_668, %get3A_669, %get3A_670] : memref<64x8x128xf32, #tpu.memory_space<vmem>>, vector<1x8x128xf32>
    %get3A_672 = vector.shape_cast %get3A_671 : vector<1x8x128xf32> to vector<8x128xf32>
    %broadcast_in_dim3A_673 = vector.shape_cast %get3A_672 : vector<8x128xf32> to vector<1x8x128xf32>
    %broadcast_in_dim3A_674 = vector.shape_cast %broadcast_in_dim3A_673 : vector<1x8x128xf32> to vector<1x8x128xf32>
    %broadcast_in_dim3A_675 = vector.broadcast %broadcast_in_dim3A_674 : vector<1x8x128xf32> to vector<128x8x128xf32>
    %reshape3A_676 = vector.shape_cast %broadcast_in_dim3A_675 : vector<128x8x128xf32> to vector<1024x128xf32>
    %add3A_677 = arith.addf %broadcast_in_dim3A_6, %reshape3A_676 : vector<1024x128xf32>
    %slice3A_678 = vector.extract_strided_slice %dot_general3A_10 {offsets = [0, 7040], sizes = [1024, 128], strides = [1, 1]} : vector<1024x8192xf32> to vector<1024x128xf32>
    %add3A_679 = arith.addf %add3A_677, %slice3A_678 : vector<1024x128xf32>
    %get3A_680 = arith.constant 56 : index
    %get3A_681 = arith.constant 0 : index
    %get3A_682 = arith.constant 0 : index
    %get3A_683 = vector.load %arg9[%get3A_680, %get3A_681, %get3A_682] : memref<64x8x128xf32, #tpu.memory_space<vmem>>, vector<1x8x128xf32>
    %get3A_684 = vector.shape_cast %get3A_683 : vector<1x8x128xf32> to vector<8x128xf32>
    %broadcast_in_dim3A_685 = vector.shape_cast %get3A_684 : vector<8x128xf32> to vector<1x8x128xf32>
    %broadcast_in_dim3A_686 = vector.shape_cast %broadcast_in_dim3A_685 : vector<1x8x128xf32> to vector<1x8x128xf32>
    %broadcast_in_dim3A_687 = vector.broadcast %broadcast_in_dim3A_686 : vector<1x8x128xf32> to vector<128x8x128xf32>
    %reshape3A_688 = vector.shape_cast %broadcast_in_dim3A_687 : vector<128x8x128xf32> to vector<1024x128xf32>
    %add3A_689 = arith.addf %broadcast_in_dim3A_6, %reshape3A_688 : vector<1024x128xf32>
    %slice3A_690 = vector.extract_strided_slice %dot_general3A_10 {offsets = [0, 7168], sizes = [1024, 128], strides = [1, 1]} : vector<1024x8192xf32> to vector<1024x128xf32>
    %add3A_691 = arith.addf %add3A_689, %slice3A_690 : vector<1024x128xf32>
    %get3A_692 = arith.constant 57 : index
    %get3A_693 = arith.constant 0 : index
    %get3A_694 = arith.constant 0 : index
    %get3A_695 = vector.load %arg9[%get3A_692, %get3A_693, %get3A_694] : memref<64x8x128xf32, #tpu.memory_space<vmem>>, vector<1x8x128xf32>
    %get3A_696 = vector.shape_cast %get3A_695 : vector<1x8x128xf32> to vector<8x128xf32>
    %broadcast_in_dim3A_697 = vector.shape_cast %get3A_696 : vector<8x128xf32> to vector<1x8x128xf32>
    %broadcast_in_dim3A_698 = vector.shape_cast %broadcast_in_dim3A_697 : vector<1x8x128xf32> to vector<1x8x128xf32>
    %broadcast_in_dim3A_699 = vector.broadcast %broadcast_in_dim3A_698 : vector<1x8x128xf32> to vector<128x8x128xf32>
    %reshape3A_700 = vector.shape_cast %broadcast_in_dim3A_699 : vector<128x8x128xf32> to vector<1024x128xf32>
    %add3A_701 = arith.addf %broadcast_in_dim3A_6, %reshape3A_700 : vector<1024x128xf32>
    %slice3A_702 = vector.extract_strided_slice %dot_general3A_10 {offsets = [0, 7296], sizes = [1024, 128], strides = [1, 1]} : vector<1024x8192xf32> to vector<1024x128xf32>
    %add3A_703 = arith.addf %add3A_701, %slice3A_702 : vector<1024x128xf32>
    %get3A_704 = arith.constant 58 : index
    %get3A_705 = arith.constant 0 : index
    %get3A_706 = arith.constant 0 : index
    %get3A_707 = vector.load %arg9[%get3A_704, %get3A_705, %get3A_706] : memref<64x8x128xf32, #tpu.memory_space<vmem>>, vector<1x8x128xf32>
    %get3A_708 = vector.shape_cast %get3A_707 : vector<1x8x128xf32> to vector<8x128xf32>
    %broadcast_in_dim3A_709 = vector.shape_cast %get3A_708 : vector<8x128xf32> to vector<1x8x128xf32>
    %broadcast_in_dim3A_710 = vector.shape_cast %broadcast_in_dim3A_709 : vector<1x8x128xf32> to vector<1x8x128xf32>
    %broadcast_in_dim3A_711 = vector.broadcast %broadcast_in_dim3A_710 : vector<1x8x128xf32> to vector<128x8x128xf32>
    %reshape3A_712 = vector.shape_cast %broadcast_in_dim3A_711 : vector<128x8x128xf32> to vector<1024x128xf32>
    %add3A_713 = arith.addf %broadcast_in_dim3A_6, %reshape3A_712 : vector<1024x128xf32>
    %slice3A_714 = vector.extract_strided_slice %dot_general3A_10 {offsets = [0, 7424], sizes = [1024, 128], strides = [1, 1]} : vector<1024x8192xf32> to vector<1024x128xf32>
    %add3A_715 = arith.addf %add3A_713, %slice3A_714 : vector<1024x128xf32>
    %get3A_716 = arith.constant 59 : index
    %get3A_717 = arith.constant 0 : index
    %get3A_718 = arith.constant 0 : index
    %get3A_719 = vector.load %arg9[%get3A_716, %get3A_717, %get3A_718] : memref<64x8x128xf32, #tpu.memory_space<vmem>>, vector<1x8x128xf32>
    %get3A_720 = vector.shape_cast %get3A_719 : vector<1x8x128xf32> to vector<8x128xf32>
    %broadcast_in_dim3A_721 = vector.shape_cast %get3A_720 : vector<8x128xf32> to vector<1x8x128xf32>
    %broadcast_in_dim3A_722 = vector.shape_cast %broadcast_in_dim3A_721 : vector<1x8x128xf32> to vector<1x8x128xf32>
    %broadcast_in_dim3A_723 = vector.broadcast %broadcast_in_dim3A_722 : vector<1x8x128xf32> to vector<128x8x128xf32>
    %reshape3A_724 = vector.shape_cast %broadcast_in_dim3A_723 : vector<128x8x128xf32> to vector<1024x128xf32>
    %add3A_725 = arith.addf %broadcast_in_dim3A_6, %reshape3A_724 : vector<1024x128xf32>
    %slice3A_726 = vector.extract_strided_slice %dot_general3A_10 {offsets = [0, 7552], sizes = [1024, 128], strides = [1, 1]} : vector<1024x8192xf32> to vector<1024x128xf32>
    %add3A_727 = arith.addf %add3A_725, %slice3A_726 : vector<1024x128xf32>
    %get3A_728 = arith.constant 60 : index
    %get3A_729 = arith.constant 0 : index
    %get3A_730 = arith.constant 0 : index
    %get3A_731 = vector.load %arg9[%get3A_728, %get3A_729, %get3A_730] : memref<64x8x128xf32, #tpu.memory_space<vmem>>, vector<1x8x128xf32>
    %get3A_732 = vector.shape_cast %get3A_731 : vector<1x8x128xf32> to vector<8x128xf32>
    %broadcast_in_dim3A_733 = vector.shape_cast %get3A_732 : vector<8x128xf32> to vector<1x8x128xf32>
    %broadcast_in_dim3A_734 = vector.shape_cast %broadcast_in_dim3A_733 : vector<1x8x128xf32> to vector<1x8x128xf32>
    %broadcast_in_dim3A_735 = vector.broadcast %broadcast_in_dim3A_734 : vector<1x8x128xf32> to vector<128x8x128xf32>
    %reshape3A_736 = vector.shape_cast %broadcast_in_dim3A_735 : vector<128x8x128xf32> to vector<1024x128xf32>
    %add3A_737 = arith.addf %broadcast_in_dim3A_6, %reshape3A_736 : vector<1024x128xf32>
    %slice3A_738 = vector.extract_strided_slice %dot_general3A_10 {offsets = [0, 7680], sizes = [1024, 128], strides = [1, 1]} : vector<1024x8192xf32> to vector<1024x128xf32>
    %add3A_739 = arith.addf %add3A_737, %slice3A_738 : vector<1024x128xf32>
    %get3A_740 = arith.constant 61 : index
    %get3A_741 = arith.constant 0 : index
    %get3A_742 = arith.constant 0 : index
    %get3A_743 = vector.load %arg9[%get3A_740, %get3A_741, %get3A_742] : memref<64x8x128xf32, #tpu.memory_space<vmem>>, vector<1x8x128xf32>
    %get3A_744 = vector.shape_cast %get3A_743 : vector<1x8x128xf32> to vector<8x128xf32>
    %broadcast_in_dim3A_745 = vector.shape_cast %get3A_744 : vector<8x128xf32> to vector<1x8x128xf32>
    %broadcast_in_dim3A_746 = vector.shape_cast %broadcast_in_dim3A_745 : vector<1x8x128xf32> to vector<1x8x128xf32>
    %broadcast_in_dim3A_747 = vector.broadcast %broadcast_in_dim3A_746 : vector<1x8x128xf32> to vector<128x8x128xf32>
    %reshape3A_748 = vector.shape_cast %broadcast_in_dim3A_747 : vector<128x8x128xf32> to vector<1024x128xf32>
    %add3A_749 = arith.addf %broadcast_in_dim3A_6, %reshape3A_748 : vector<1024x128xf32>
    %slice3A_750 = vector.extract_strided_slice %dot_general3A_10 {offsets = [0, 7808], sizes = [1024, 128], strides = [1, 1]} : vector<1024x8192xf32> to vector<1024x128xf32>
    %add3A_751 = arith.addf %add3A_749, %slice3A_750 : vector<1024x128xf32>
    %get3A_752 = arith.constant 62 : index
    %get3A_753 = arith.constant 0 : index
    %get3A_754 = arith.constant 0 : index
    %get3A_755 = vector.load %arg9[%get3A_752, %get3A_753, %get3A_754] : memref<64x8x128xf32, #tpu.memory_space<vmem>>, vector<1x8x128xf32>
    %get3A_756 = vector.shape_cast %get3A_755 : vector<1x8x128xf32> to vector<8x128xf32>
    %broadcast_in_dim3A_757 = vector.shape_cast %get3A_756 : vector<8x128xf32> to vector<1x8x128xf32>
    %broadcast_in_dim3A_758 = vector.shape_cast %broadcast_in_dim3A_757 : vector<1x8x128xf32> to vector<1x8x128xf32>
    %broadcast_in_dim3A_759 = vector.broadcast %broadcast_in_dim3A_758 : vector<1x8x128xf32> to vector<128x8x128xf32>
    %reshape3A_760 = vector.shape_cast %broadcast_in_dim3A_759 : vector<128x8x128xf32> to vector<1024x128xf32>
    %add3A_761 = arith.addf %broadcast_in_dim3A_6, %reshape3A_760 : vector<1024x128xf32>
    %slice3A_762 = vector.extract_strided_slice %dot_general3A_10 {offsets = [0, 7936], sizes = [1024, 128], strides = [1, 1]} : vector<1024x8192xf32> to vector<1024x128xf32>
    %add3A_763 = arith.addf %add3A_761, %slice3A_762 : vector<1024x128xf32>
    %get3A_764 = arith.constant 63 : index
    %get3A_765 = arith.constant 0 : index
    %get3A_766 = arith.constant 0 : index
    %get3A_767 = vector.load %arg9[%get3A_764, %get3A_765, %get3A_766] : memref<64x8x128xf32, #tpu.memory_space<vmem>>, vector<1x8x128xf32>
    %get3A_768 = vector.shape_cast %get3A_767 : vector<1x8x128xf32> to vector<8x128xf32>
    %broadcast_in_dim3A_769 = vector.shape_cast %get3A_768 : vector<8x128xf32> to vector<1x8x128xf32>
    %broadcast_in_dim3A_770 = vector.shape_cast %broadcast_in_dim3A_769 : vector<1x8x128xf32> to vector<1x8x128xf32>
    %broadcast_in_dim3A_771 = vector.broadcast %broadcast_in_dim3A_770 : vector<1x8x128xf32> to vector<128x8x128xf32>
    %reshape3A_772 = vector.shape_cast %broadcast_in_dim3A_771 : vector<128x8x128xf32> to vector<1024x128xf32>
    %add3A_773 = arith.addf %broadcast_in_dim3A_6, %reshape3A_772 : vector<1024x128xf32>
    %slice3A_774 = vector.extract_strided_slice %dot_general3A_10 {offsets = [0, 8064], sizes = [1024, 128], strides = [1, 1]} : vector<1024x8192xf32> to vector<1024x128xf32>
    %add3A_775 = arith.addf %add3A_773, %slice3A_774 : vector<1024x128xf32>
    %lt3A = arith.cmpf olt, %add3A_31, %add3A_19 : vector<1024x128xf32>
    %jit3A = arith.constant 1 : i32
    %jit3A_776 = arith.constant 0 : i32
    %broadcast_in_dim3A_777 = vector.broadcast %jit3A : i32 to vector<1024x128xi32>
    %broadcast_in_dim3A_778 = vector.broadcast %jit3A_776 : i32 to vector<1024x128xi32>
    %select_n3A = arith.select %lt3A, %broadcast_in_dim3A_777, %broadcast_in_dim3A_778 : vector<1024x128xi1>, vector<1024x128xi32>
    %min3A = arith.minimumf %add3A_19, %add3A_31 : vector<1024x128xf32>
    %lt3A_779 = arith.cmpf olt, %add3A_55, %add3A_43 : vector<1024x128xf32>
    %jit3A_780 = arith.constant 3 : i32
    %jit3A_781 = arith.constant 2 : i32
    %broadcast_in_dim3A_782 = vector.broadcast %jit3A_780 : i32 to vector<1024x128xi32>
    %broadcast_in_dim3A_783 = vector.broadcast %jit3A_781 : i32 to vector<1024x128xi32>
    %select_n3A_784 = arith.select %lt3A_779, %broadcast_in_dim3A_782, %broadcast_in_dim3A_783 : vector<1024x128xi1>, vector<1024x128xi32>
    %min3A_785 = arith.minimumf %add3A_43, %add3A_55 : vector<1024x128xf32>
    %lt3A_786 = arith.cmpf olt, %add3A_79, %add3A_67 : vector<1024x128xf32>
    %jit3A_787 = arith.constant 5 : i32
    %jit3A_788 = arith.constant 4 : i32
    %broadcast_in_dim3A_789 = vector.broadcast %jit3A_787 : i32 to vector<1024x128xi32>
    %broadcast_in_dim3A_790 = vector.broadcast %jit3A_788 : i32 to vector<1024x128xi32>
    %select_n3A_791 = arith.select %lt3A_786, %broadcast_in_dim3A_789, %broadcast_in_dim3A_790 : vector<1024x128xi1>, vector<1024x128xi32>
    %min3A_792 = arith.minimumf %add3A_67, %add3A_79 : vector<1024x128xf32>
    %lt3A_793 = arith.cmpf olt, %add3A_103, %add3A_91 : vector<1024x128xf32>
    %jit3A_794 = arith.constant 7 : i32
    %jit3A_795 = arith.constant 6 : i32
    %broadcast_in_dim3A_796 = vector.broadcast %jit3A_794 : i32 to vector<1024x128xi32>
    %broadcast_in_dim3A_797 = vector.broadcast %jit3A_795 : i32 to vector<1024x128xi32>
    %select_n3A_798 = arith.select %lt3A_793, %broadcast_in_dim3A_796, %broadcast_in_dim3A_797 : vector<1024x128xi1>, vector<1024x128xi32>
    %min3A_799 = arith.minimumf %add3A_91, %add3A_103 : vector<1024x128xf32>
    %lt3A_800 = arith.cmpf olt, %add3A_127, %add3A_115 : vector<1024x128xf32>
    %jit3A_801 = arith.constant 9 : i32
    %jit3A_802 = arith.constant 8 : i32
    %broadcast_in_dim3A_803 = vector.broadcast %jit3A_801 : i32 to vector<1024x128xi32>
    %broadcast_in_dim3A_804 = vector.broadcast %jit3A_802 : i32 to vector<1024x128xi32>
    %select_n3A_805 = arith.select %lt3A_800, %broadcast_in_dim3A_803, %broadcast_in_dim3A_804 : vector<1024x128xi1>, vector<1024x128xi32>
    %min3A_806 = arith.minimumf %add3A_115, %add3A_127 : vector<1024x128xf32>
    %lt3A_807 = arith.cmpf olt, %add3A_151, %add3A_139 : vector<1024x128xf32>
    %jit3A_808 = arith.constant 11 : i32
    %jit3A_809 = arith.constant 10 : i32
    %broadcast_in_dim3A_810 = vector.broadcast %jit3A_808 : i32 to vector<1024x128xi32>
    %broadcast_in_dim3A_811 = vector.broadcast %jit3A_809 : i32 to vector<1024x128xi32>
    %select_n3A_812 = arith.select %lt3A_807, %broadcast_in_dim3A_810, %broadcast_in_dim3A_811 : vector<1024x128xi1>, vector<1024x128xi32>
    %min3A_813 = arith.minimumf %add3A_139, %add3A_151 : vector<1024x128xf32>
    %lt3A_814 = arith.cmpf olt, %add3A_175, %add3A_163 : vector<1024x128xf32>
    %jit3A_815 = arith.constant 13 : i32
    %jit3A_816 = arith.constant 12 : i32
    %broadcast_in_dim3A_817 = vector.broadcast %jit3A_815 : i32 to vector<1024x128xi32>
    %broadcast_in_dim3A_818 = vector.broadcast %jit3A_816 : i32 to vector<1024x128xi32>
    %select_n3A_819 = arith.select %lt3A_814, %broadcast_in_dim3A_817, %broadcast_in_dim3A_818 : vector<1024x128xi1>, vector<1024x128xi32>
    %min3A_820 = arith.minimumf %add3A_163, %add3A_175 : vector<1024x128xf32>
    %lt3A_821 = arith.cmpf olt, %add3A_199, %add3A_187 : vector<1024x128xf32>
    %jit3A_822 = arith.constant 15 : i32
    %jit3A_823 = arith.constant 14 : i32
    %broadcast_in_dim3A_824 = vector.broadcast %jit3A_822 : i32 to vector<1024x128xi32>
    %broadcast_in_dim3A_825 = vector.broadcast %jit3A_823 : i32 to vector<1024x128xi32>
    %select_n3A_826 = arith.select %lt3A_821, %broadcast_in_dim3A_824, %broadcast_in_dim3A_825 : vector<1024x128xi1>, vector<1024x128xi32>
    %min3A_827 = arith.minimumf %add3A_187, %add3A_199 : vector<1024x128xf32>
    %lt3A_828 = arith.cmpf olt, %add3A_223, %add3A_211 : vector<1024x128xf32>
    %jit3A_829 = arith.constant 17 : i32
    %jit3A_830 = arith.constant 16 : i32
    %broadcast_in_dim3A_831 = vector.broadcast %jit3A_829 : i32 to vector<1024x128xi32>
    %broadcast_in_dim3A_832 = vector.broadcast %jit3A_830 : i32 to vector<1024x128xi32>
    %select_n3A_833 = arith.select %lt3A_828, %broadcast_in_dim3A_831, %broadcast_in_dim3A_832 : vector<1024x128xi1>, vector<1024x128xi32>
    %min3A_834 = arith.minimumf %add3A_211, %add3A_223 : vector<1024x128xf32>
    %lt3A_835 = arith.cmpf olt, %add3A_247, %add3A_235 : vector<1024x128xf32>
    %jit3A_836 = arith.constant 19 : i32
    %jit3A_837 = arith.constant 18 : i32
    %broadcast_in_dim3A_838 = vector.broadcast %jit3A_836 : i32 to vector<1024x128xi32>
    %broadcast_in_dim3A_839 = vector.broadcast %jit3A_837 : i32 to vector<1024x128xi32>
    %select_n3A_840 = arith.select %lt3A_835, %broadcast_in_dim3A_838, %broadcast_in_dim3A_839 : vector<1024x128xi1>, vector<1024x128xi32>
    %min3A_841 = arith.minimumf %add3A_235, %add3A_247 : vector<1024x128xf32>
    %lt3A_842 = arith.cmpf olt, %add3A_271, %add3A_259 : vector<1024x128xf32>
    %jit3A_843 = arith.constant 21 : i32
    %jit3A_844 = arith.constant 20 : i32
    %broadcast_in_dim3A_845 = vector.broadcast %jit3A_843 : i32 to vector<1024x128xi32>
    %broadcast_in_dim3A_846 = vector.broadcast %jit3A_844 : i32 to vector<1024x128xi32>
    %select_n3A_847 = arith.select %lt3A_842, %broadcast_in_dim3A_845, %broadcast_in_dim3A_846 : vector<1024x128xi1>, vector<1024x128xi32>
    %min3A_848 = arith.minimumf %add3A_259, %add3A_271 : vector<1024x128xf32>
    %lt3A_849 = arith.cmpf olt, %add3A_295, %add3A_283 : vector<1024x128xf32>
    %jit3A_850 = arith.constant 23 : i32
    %jit3A_851 = arith.constant 22 : i32
    %broadcast_in_dim3A_852 = vector.broadcast %jit3A_850 : i32 to vector<1024x128xi32>
    %broadcast_in_dim3A_853 = vector.broadcast %jit3A_851 : i32 to vector<1024x128xi32>
    %select_n3A_854 = arith.select %lt3A_849, %broadcast_in_dim3A_852, %broadcast_in_dim3A_853 : vector<1024x128xi1>, vector<1024x128xi32>
    %min3A_855 = arith.minimumf %add3A_283, %add3A_295 : vector<1024x128xf32>
    %lt3A_856 = arith.cmpf olt, %add3A_319, %add3A_307 : vector<1024x128xf32>
    %jit3A_857 = arith.constant 25 : i32
    %jit3A_858 = arith.constant 24 : i32
    %broadcast_in_dim3A_859 = vector.broadcast %jit3A_857 : i32 to vector<1024x128xi32>
    %broadcast_in_dim3A_860 = vector.broadcast %jit3A_858 : i32 to vector<1024x128xi32>
    %select_n3A_861 = arith.select %lt3A_856, %broadcast_in_dim3A_859, %broadcast_in_dim3A_860 : vector<1024x128xi1>, vector<1024x128xi32>
    %min3A_862 = arith.minimumf %add3A_307, %add3A_319 : vector<1024x128xf32>
    %lt3A_863 = arith.cmpf olt, %add3A_343, %add3A_331 : vector<1024x128xf32>
    %jit3A_864 = arith.constant 27 : i32
    %jit3A_865 = arith.constant 26 : i32
    %broadcast_in_dim3A_866 = vector.broadcast %jit3A_864 : i32 to vector<1024x128xi32>
    %broadcast_in_dim3A_867 = vector.broadcast %jit3A_865 : i32 to vector<1024x128xi32>
    %select_n3A_868 = arith.select %lt3A_863, %broadcast_in_dim3A_866, %broadcast_in_dim3A_867 : vector<1024x128xi1>, vector<1024x128xi32>
    %min3A_869 = arith.minimumf %add3A_331, %add3A_343 : vector<1024x128xf32>
    %lt3A_870 = arith.cmpf olt, %add3A_367, %add3A_355 : vector<1024x128xf32>
    %jit3A_871 = arith.constant 29 : i32
    %jit3A_872 = arith.constant 28 : i32
    %broadcast_in_dim3A_873 = vector.broadcast %jit3A_871 : i32 to vector<1024x128xi32>
    %broadcast_in_dim3A_874 = vector.broadcast %jit3A_872 : i32 to vector<1024x128xi32>
    %select_n3A_875 = arith.select %lt3A_870, %broadcast_in_dim3A_873, %broadcast_in_dim3A_874 : vector<1024x128xi1>, vector<1024x128xi32>
    %min3A_876 = arith.minimumf %add3A_355, %add3A_367 : vector<1024x128xf32>
    %lt3A_877 = arith.cmpf olt, %add3A_391, %add3A_379 : vector<1024x128xf32>
    %jit3A_878 = arith.constant 31 : i32
    %jit3A_879 = arith.constant 30 : i32
    %broadcast_in_dim3A_880 = vector.broadcast %jit3A_878 : i32 to vector<1024x128xi32>
    %broadcast_in_dim3A_881 = vector.broadcast %jit3A_879 : i32 to vector<1024x128xi32>
    %select_n3A_882 = arith.select %lt3A_877, %broadcast_in_dim3A_880, %broadcast_in_dim3A_881 : vector<1024x128xi1>, vector<1024x128xi32>
    %min3A_883 = arith.minimumf %add3A_379, %add3A_391 : vector<1024x128xf32>
    %lt3A_884 = arith.cmpf olt, %add3A_415, %add3A_403 : vector<1024x128xf32>
    %jit3A_885 = arith.constant 33 : i32
    %jit3A_886 = arith.constant 32 : i32
    %broadcast_in_dim3A_887 = vector.broadcast %jit3A_885 : i32 to vector<1024x128xi32>
    %broadcast_in_dim3A_888 = vector.broadcast %jit3A_886 : i32 to vector<1024x128xi32>
    %select_n3A_889 = arith.select %lt3A_884, %broadcast_in_dim3A_887, %broadcast_in_dim3A_888 : vector<1024x128xi1>, vector<1024x128xi32>
    %min3A_890 = arith.minimumf %add3A_403, %add3A_415 : vector<1024x128xf32>
    %lt3A_891 = arith.cmpf olt, %add3A_439, %add3A_427 : vector<1024x128xf32>
    %jit3A_892 = arith.constant 35 : i32
    %jit3A_893 = arith.constant 34 : i32
    %broadcast_in_dim3A_894 = vector.broadcast %jit3A_892 : i32 to vector<1024x128xi32>
    %broadcast_in_dim3A_895 = vector.broadcast %jit3A_893 : i32 to vector<1024x128xi32>
    %select_n3A_896 = arith.select %lt3A_891, %broadcast_in_dim3A_894, %broadcast_in_dim3A_895 : vector<1024x128xi1>, vector<1024x128xi32>
    %min3A_897 = arith.minimumf %add3A_427, %add3A_439 : vector<1024x128xf32>
    %lt3A_898 = arith.cmpf olt, %add3A_463, %add3A_451 : vector<1024x128xf32>
    %jit3A_899 = arith.constant 37 : i32
    %jit3A_900 = arith.constant 36 : i32
    %broadcast_in_dim3A_901 = vector.broadcast %jit3A_899 : i32 to vector<1024x128xi32>
    %broadcast_in_dim3A_902 = vector.broadcast %jit3A_900 : i32 to vector<1024x128xi32>
    %select_n3A_903 = arith.select %lt3A_898, %broadcast_in_dim3A_901, %broadcast_in_dim3A_902 : vector<1024x128xi1>, vector<1024x128xi32>
    %min3A_904 = arith.minimumf %add3A_451, %add3A_463 : vector<1024x128xf32>
    %lt3A_905 = arith.cmpf olt, %add3A_487, %add3A_475 : vector<1024x128xf32>
    %jit3A_906 = arith.constant 39 : i32
    %jit3A_907 = arith.constant 38 : i32
    %broadcast_in_dim3A_908 = vector.broadcast %jit3A_906 : i32 to vector<1024x128xi32>
    %broadcast_in_dim3A_909 = vector.broadcast %jit3A_907 : i32 to vector<1024x128xi32>
    %select_n3A_910 = arith.select %lt3A_905, %broadcast_in_dim3A_908, %broadcast_in_dim3A_909 : vector<1024x128xi1>, vector<1024x128xi32>
    %min3A_911 = arith.minimumf %add3A_475, %add3A_487 : vector<1024x128xf32>
    %lt3A_912 = arith.cmpf olt, %add3A_511, %add3A_499 : vector<1024x128xf32>
    %jit3A_913 = arith.constant 41 : i32
    %jit3A_914 = arith.constant 40 : i32
    %broadcast_in_dim3A_915 = vector.broadcast %jit3A_913 : i32 to vector<1024x128xi32>
    %broadcast_in_dim3A_916 = vector.broadcast %jit3A_914 : i32 to vector<1024x128xi32>
    %select_n3A_917 = arith.select %lt3A_912, %broadcast_in_dim3A_915, %broadcast_in_dim3A_916 : vector<1024x128xi1>, vector<1024x128xi32>
    %min3A_918 = arith.minimumf %add3A_499, %add3A_511 : vector<1024x128xf32>
    %lt3A_919 = arith.cmpf olt, %add3A_535, %add3A_523 : vector<1024x128xf32>
    %jit3A_920 = arith.constant 43 : i32
    %jit3A_921 = arith.constant 42 : i32
    %broadcast_in_dim3A_922 = vector.broadcast %jit3A_920 : i32 to vector<1024x128xi32>
    %broadcast_in_dim3A_923 = vector.broadcast %jit3A_921 : i32 to vector<1024x128xi32>
    %select_n3A_924 = arith.select %lt3A_919, %broadcast_in_dim3A_922, %broadcast_in_dim3A_923 : vector<1024x128xi1>, vector<1024x128xi32>
    %min3A_925 = arith.minimumf %add3A_523, %add3A_535 : vector<1024x128xf32>
    %lt3A_926 = arith.cmpf olt, %add3A_559, %add3A_547 : vector<1024x128xf32>
    %jit3A_927 = arith.constant 45 : i32
    %jit3A_928 = arith.constant 44 : i32
    %broadcast_in_dim3A_929 = vector.broadcast %jit3A_927 : i32 to vector<1024x128xi32>
    %broadcast_in_dim3A_930 = vector.broadcast %jit3A_928 : i32 to vector<1024x128xi32>
    %select_n3A_931 = arith.select %lt3A_926, %broadcast_in_dim3A_929, %broadcast_in_dim3A_930 : vector<1024x128xi1>, vector<1024x128xi32>
    %min3A_932 = arith.minimumf %add3A_547, %add3A_559 : vector<1024x128xf32>
    %lt3A_933 = arith.cmpf olt, %add3A_583, %add3A_571 : vector<1024x128xf32>
    %jit3A_934 = arith.constant 47 : i32
    %jit3A_935 = arith.constant 46 : i32
    %broadcast_in_dim3A_936 = vector.broadcast %jit3A_934 : i32 to vector<1024x128xi32>
    %broadcast_in_dim3A_937 = vector.broadcast %jit3A_935 : i32 to vector<1024x128xi32>
    %select_n3A_938 = arith.select %lt3A_933, %broadcast_in_dim3A_936, %broadcast_in_dim3A_937 : vector<1024x128xi1>, vector<1024x128xi32>
    %min3A_939 = arith.minimumf %add3A_571, %add3A_583 : vector<1024x128xf32>
    %lt3A_940 = arith.cmpf olt, %add3A_607, %add3A_595 : vector<1024x128xf32>
    %jit3A_941 = arith.constant 49 : i32
    %jit3A_942 = arith.constant 48 : i32
    %broadcast_in_dim3A_943 = vector.broadcast %jit3A_941 : i32 to vector<1024x128xi32>
    %broadcast_in_dim3A_944 = vector.broadcast %jit3A_942 : i32 to vector<1024x128xi32>
    %select_n3A_945 = arith.select %lt3A_940, %broadcast_in_dim3A_943, %broadcast_in_dim3A_944 : vector<1024x128xi1>, vector<1024x128xi32>
    %min3A_946 = arith.minimumf %add3A_595, %add3A_607 : vector<1024x128xf32>
    %lt3A_947 = arith.cmpf olt, %add3A_631, %add3A_619 : vector<1024x128xf32>
    %jit3A_948 = arith.constant 51 : i32
    %jit3A_949 = arith.constant 50 : i32
    %broadcast_in_dim3A_950 = vector.broadcast %jit3A_948 : i32 to vector<1024x128xi32>
    %broadcast_in_dim3A_951 = vector.broadcast %jit3A_949 : i32 to vector<1024x128xi32>
    %select_n3A_952 = arith.select %lt3A_947, %broadcast_in_dim3A_950, %broadcast_in_dim3A_951 : vector<1024x128xi1>, vector<1024x128xi32>
    %min3A_953 = arith.minimumf %add3A_619, %add3A_631 : vector<1024x128xf32>
    %lt3A_954 = arith.cmpf olt, %add3A_655, %add3A_643 : vector<1024x128xf32>
    %jit3A_955 = arith.constant 53 : i32
    %jit3A_956 = arith.constant 52 : i32
    %broadcast_in_dim3A_957 = vector.broadcast %jit3A_955 : i32 to vector<1024x128xi32>
    %broadcast_in_dim3A_958 = vector.broadcast %jit3A_956 : i32 to vector<1024x128xi32>
    %select_n3A_959 = arith.select %lt3A_954, %broadcast_in_dim3A_957, %broadcast_in_dim3A_958 : vector<1024x128xi1>, vector<1024x128xi32>
    %min3A_960 = arith.minimumf %add3A_643, %add3A_655 : vector<1024x128xf32>
    %lt3A_961 = arith.cmpf olt, %add3A_679, %add3A_667 : vector<1024x128xf32>
    %jit3A_962 = arith.constant 55 : i32
    %jit3A_963 = arith.constant 54 : i32
    %broadcast_in_dim3A_964 = vector.broadcast %jit3A_962 : i32 to vector<1024x128xi32>
    %broadcast_in_dim3A_965 = vector.broadcast %jit3A_963 : i32 to vector<1024x128xi32>
    %select_n3A_966 = arith.select %lt3A_961, %broadcast_in_dim3A_964, %broadcast_in_dim3A_965 : vector<1024x128xi1>, vector<1024x128xi32>
    %min3A_967 = arith.minimumf %add3A_667, %add3A_679 : vector<1024x128xf32>
    %lt3A_968 = arith.cmpf olt, %add3A_703, %add3A_691 : vector<1024x128xf32>
    %jit3A_969 = arith.constant 57 : i32
    %jit3A_970 = arith.constant 56 : i32
    %broadcast_in_dim3A_971 = vector.broadcast %jit3A_969 : i32 to vector<1024x128xi32>
    %broadcast_in_dim3A_972 = vector.broadcast %jit3A_970 : i32 to vector<1024x128xi32>
    %select_n3A_973 = arith.select %lt3A_968, %broadcast_in_dim3A_971, %broadcast_in_dim3A_972 : vector<1024x128xi1>, vector<1024x128xi32>
    %min3A_974 = arith.minimumf %add3A_691, %add3A_703 : vector<1024x128xf32>
    %lt3A_975 = arith.cmpf olt, %add3A_727, %add3A_715 : vector<1024x128xf32>
    %jit3A_976 = arith.constant 59 : i32
    %jit3A_977 = arith.constant 58 : i32
    %broadcast_in_dim3A_978 = vector.broadcast %jit3A_976 : i32 to vector<1024x128xi32>
    %broadcast_in_dim3A_979 = vector.broadcast %jit3A_977 : i32 to vector<1024x128xi32>
    %select_n3A_980 = arith.select %lt3A_975, %broadcast_in_dim3A_978, %broadcast_in_dim3A_979 : vector<1024x128xi1>, vector<1024x128xi32>
    %min3A_981 = arith.minimumf %add3A_715, %add3A_727 : vector<1024x128xf32>
    %lt3A_982 = arith.cmpf olt, %add3A_751, %add3A_739 : vector<1024x128xf32>
    %jit3A_983 = arith.constant 61 : i32
    %jit3A_984 = arith.constant 60 : i32
    %broadcast_in_dim3A_985 = vector.broadcast %jit3A_983 : i32 to vector<1024x128xi32>
    %broadcast_in_dim3A_986 = vector.broadcast %jit3A_984 : i32 to vector<1024x128xi32>
    %select_n3A_987 = arith.select %lt3A_982, %broadcast_in_dim3A_985, %broadcast_in_dim3A_986 : vector<1024x128xi1>, vector<1024x128xi32>
    %min3A_988 = arith.minimumf %add3A_739, %add3A_751 : vector<1024x128xf32>
    %lt3A_989 = arith.cmpf olt, %add3A_775, %add3A_763 : vector<1024x128xf32>
    %jit3A_990 = arith.constant 63 : i32
    %jit3A_991 = arith.constant 62 : i32
    %broadcast_in_dim3A_992 = vector.broadcast %jit3A_990 : i32 to vector<1024x128xi32>
    %broadcast_in_dim3A_993 = vector.broadcast %jit3A_991 : i32 to vector<1024x128xi32>
    %select_n3A_994 = arith.select %lt3A_989, %broadcast_in_dim3A_992, %broadcast_in_dim3A_993 : vector<1024x128xi1>, vector<1024x128xi32>
    %min3A_995 = arith.minimumf %add3A_763, %add3A_775 : vector<1024x128xf32>
    %lt3A_996 = arith.cmpf olt, %min3A_785, %min3A : vector<1024x128xf32>
    %select_n3A_997 = arith.select %lt3A_996, %select_n3A_784, %select_n3A : vector<1024x128xi1>, vector<1024x128xi32>
    %min3A_998 = arith.minimumf %min3A, %min3A_785 : vector<1024x128xf32>
    %lt3A_999 = arith.cmpf olt, %min3A_799, %min3A_792 : vector<1024x128xf32>
    %select_n3A_1000 = arith.select %lt3A_999, %select_n3A_798, %select_n3A_791 : vector<1024x128xi1>, vector<1024x128xi32>
    %min3A_1001 = arith.minimumf %min3A_792, %min3A_799 : vector<1024x128xf32>
    %lt3A_1002 = arith.cmpf olt, %min3A_813, %min3A_806 : vector<1024x128xf32>
    %select_n3A_1003 = arith.select %lt3A_1002, %select_n3A_812, %select_n3A_805 : vector<1024x128xi1>, vector<1024x128xi32>
    %min3A_1004 = arith.minimumf %min3A_806, %min3A_813 : vector<1024x128xf32>
    %lt3A_1005 = arith.cmpf olt, %min3A_827, %min3A_820 : vector<1024x128xf32>
    %select_n3A_1006 = arith.select %lt3A_1005, %select_n3A_826, %select_n3A_819 : vector<1024x128xi1>, vector<1024x128xi32>
    %min3A_1007 = arith.minimumf %min3A_820, %min3A_827 : vector<1024x128xf32>
    %lt3A_1008 = arith.cmpf olt, %min3A_841, %min3A_834 : vector<1024x128xf32>
    %select_n3A_1009 = arith.select %lt3A_1008, %select_n3A_840, %select_n3A_833 : vector<1024x128xi1>, vector<1024x128xi32>
    %min3A_1010 = arith.minimumf %min3A_834, %min3A_841 : vector<1024x128xf32>
    %lt3A_1011 = arith.cmpf olt, %min3A_855, %min3A_848 : vector<1024x128xf32>
    %select_n3A_1012 = arith.select %lt3A_1011, %select_n3A_854, %select_n3A_847 : vector<1024x128xi1>, vector<1024x128xi32>
    %min3A_1013 = arith.minimumf %min3A_848, %min3A_855 : vector<1024x128xf32>
    %lt3A_1014 = arith.cmpf olt, %min3A_869, %min3A_862 : vector<1024x128xf32>
    %select_n3A_1015 = arith.select %lt3A_1014, %select_n3A_868, %select_n3A_861 : vector<1024x128xi1>, vector<1024x128xi32>
    %min3A_1016 = arith.minimumf %min3A_862, %min3A_869 : vector<1024x128xf32>
    %lt3A_1017 = arith.cmpf olt, %min3A_883, %min3A_876 : vector<1024x128xf32>
    %select_n3A_1018 = arith.select %lt3A_1017, %select_n3A_882, %select_n3A_875 : vector<1024x128xi1>, vector<1024x128xi32>
    %min3A_1019 = arith.minimumf %min3A_876, %min3A_883 : vector<1024x128xf32>
    %lt3A_1020 = arith.cmpf olt, %min3A_897, %min3A_890 : vector<1024x128xf32>
    %select_n3A_1021 = arith.select %lt3A_1020, %select_n3A_896, %select_n3A_889 : vector<1024x128xi1>, vector<1024x128xi32>
    %min3A_1022 = arith.minimumf %min3A_890, %min3A_897 : vector<1024x128xf32>
    %lt3A_1023 = arith.cmpf olt, %min3A_911, %min3A_904 : vector<1024x128xf32>
    %select_n3A_1024 = arith.select %lt3A_1023, %select_n3A_910, %select_n3A_903 : vector<1024x128xi1>, vector<1024x128xi32>
    %min3A_1025 = arith.minimumf %min3A_904, %min3A_911 : vector<1024x128xf32>
    %lt3A_1026 = arith.cmpf olt, %min3A_925, %min3A_918 : vector<1024x128xf32>
    %select_n3A_1027 = arith.select %lt3A_1026, %select_n3A_924, %select_n3A_917 : vector<1024x128xi1>, vector<1024x128xi32>
    %min3A_1028 = arith.minimumf %min3A_918, %min3A_925 : vector<1024x128xf32>
    %lt3A_1029 = arith.cmpf olt, %min3A_939, %min3A_932 : vector<1024x128xf32>
    %select_n3A_1030 = arith.select %lt3A_1029, %select_n3A_938, %select_n3A_931 : vector<1024x128xi1>, vector<1024x128xi32>
    %min3A_1031 = arith.minimumf %min3A_932, %min3A_939 : vector<1024x128xf32>
    %lt3A_1032 = arith.cmpf olt, %min3A_953, %min3A_946 : vector<1024x128xf32>
    %select_n3A_1033 = arith.select %lt3A_1032, %select_n3A_952, %select_n3A_945 : vector<1024x128xi1>, vector<1024x128xi32>
    %min3A_1034 = arith.minimumf %min3A_946, %min3A_953 : vector<1024x128xf32>
    %lt3A_1035 = arith.cmpf olt, %min3A_967, %min3A_960 : vector<1024x128xf32>
    %select_n3A_1036 = arith.select %lt3A_1035, %select_n3A_966, %select_n3A_959 : vector<1024x128xi1>, vector<1024x128xi32>
    %min3A_1037 = arith.minimumf %min3A_960, %min3A_967 : vector<1024x128xf32>
    %lt3A_1038 = arith.cmpf olt, %min3A_981, %min3A_974 : vector<1024x128xf32>
    %select_n3A_1039 = arith.select %lt3A_1038, %select_n3A_980, %select_n3A_973 : vector<1024x128xi1>, vector<1024x128xi32>
    %min3A_1040 = arith.minimumf %min3A_974, %min3A_981 : vector<1024x128xf32>
    %lt3A_1041 = arith.cmpf olt, %min3A_995, %min3A_988 : vector<1024x128xf32>
    %select_n3A_1042 = arith.select %lt3A_1041, %select_n3A_994, %select_n3A_987 : vector<1024x128xi1>, vector<1024x128xi32>
    %min3A_1043 = arith.minimumf %min3A_988, %min3A_995 : vector<1024x128xf32>
    %lt3A_1044 = arith.cmpf olt, %min3A_1001, %min3A_998 : vector<1024x128xf32>
    %select_n3A_1045 = arith.select %lt3A_1044, %select_n3A_1000, %select_n3A_997 : vector<1024x128xi1>, vector<1024x128xi32>
    %min3A_1046 = arith.minimumf %min3A_998, %min3A_1001 : vector<1024x128xf32>
    %lt3A_1047 = arith.cmpf olt, %min3A_1007, %min3A_1004 : vector<1024x128xf32>
    %select_n3A_1048 = arith.select %lt3A_1047, %select_n3A_1006, %select_n3A_1003 : vector<1024x128xi1>, vector<1024x128xi32>
    %min3A_1049 = arith.minimumf %min3A_1004, %min3A_1007 : vector<1024x128xf32>
    %lt3A_1050 = arith.cmpf olt, %min3A_1013, %min3A_1010 : vector<1024x128xf32>
    %select_n3A_1051 = arith.select %lt3A_1050, %select_n3A_1012, %select_n3A_1009 : vector<1024x128xi1>, vector<1024x128xi32>
    %min3A_1052 = arith.minimumf %min3A_1010, %min3A_1013 : vector<1024x128xf32>
    %lt3A_1053 = arith.cmpf olt, %min3A_1019, %min3A_1016 : vector<1024x128xf32>
    %select_n3A_1054 = arith.select %lt3A_1053, %select_n3A_1018, %select_n3A_1015 : vector<1024x128xi1>, vector<1024x128xi32>
    %min3A_1055 = arith.minimumf %min3A_1016, %min3A_1019 : vector<1024x128xf32>
    %lt3A_1056 = arith.cmpf olt, %min3A_1025, %min3A_1022 : vector<1024x128xf32>
    %select_n3A_1057 = arith.select %lt3A_1056, %select_n3A_1024, %select_n3A_1021 : vector<1024x128xi1>, vector<1024x128xi32>
    %min3A_1058 = arith.minimumf %min3A_1022, %min3A_1025 : vector<1024x128xf32>
    %lt3A_1059 = arith.cmpf olt, %min3A_1031, %min3A_1028 : vector<1024x128xf32>
    %select_n3A_1060 = arith.select %lt3A_1059, %select_n3A_1030, %select_n3A_1027 : vector<1024x128xi1>, vector<1024x128xi32>
    %min3A_1061 = arith.minimumf %min3A_1028, %min3A_1031 : vector<1024x128xf32>
    %lt3A_1062 = arith.cmpf olt, %min3A_1037, %min3A_1034 : vector<1024x128xf32>
    %select_n3A_1063 = arith.select %lt3A_1062, %select_n3A_1036, %select_n3A_1033 : vector<1024x128xi1>, vector<1024x128xi32>
    %min3A_1064 = arith.minimumf %min3A_1034, %min3A_1037 : vector<1024x128xf32>
    %lt3A_1065 = arith.cmpf olt, %min3A_1043, %min3A_1040 : vector<1024x128xf32>
    %select_n3A_1066 = arith.select %lt3A_1065, %select_n3A_1042, %select_n3A_1039 : vector<1024x128xi1>, vector<1024x128xi32>
    %min3A_1067 = arith.minimumf %min3A_1040, %min3A_1043 : vector<1024x128xf32>
    %lt3A_1068 = arith.cmpf olt, %min3A_1049, %min3A_1046 : vector<1024x128xf32>
    %select_n3A_1069 = arith.select %lt3A_1068, %select_n3A_1048, %select_n3A_1045 : vector<1024x128xi1>, vector<1024x128xi32>
    %min3A_1070 = arith.minimumf %min3A_1046, %min3A_1049 : vector<1024x128xf32>
    %lt3A_1071 = arith.cmpf olt, %min3A_1055, %min3A_1052 : vector<1024x128xf32>
    %select_n3A_1072 = arith.select %lt3A_1071, %select_n3A_1054, %select_n3A_1051 : vector<1024x128xi1>, vector<1024x128xi32>
    %min3A_1073 = arith.minimumf %min3A_1052, %min3A_1055 : vector<1024x128xf32>
    %lt3A_1074 = arith.cmpf olt, %min3A_1061, %min3A_1058 : vector<1024x128xf32>
    %select_n3A_1075 = arith.select %lt3A_1074, %select_n3A_1060, %select_n3A_1057 : vector<1024x128xi1>, vector<1024x128xi32>
    %min3A_1076 = arith.minimumf %min3A_1058, %min3A_1061 : vector<1024x128xf32>
    %lt3A_1077 = arith.cmpf olt, %min3A_1067, %min3A_1064 : vector<1024x128xf32>
    %select_n3A_1078 = arith.select %lt3A_1077, %select_n3A_1066, %select_n3A_1063 : vector<1024x128xi1>, vector<1024x128xi32>
    %min3A_1079 = arith.minimumf %min3A_1064, %min3A_1067 : vector<1024x128xf32>
    %lt3A_1080 = arith.cmpf olt, %min3A_1073, %min3A_1070 : vector<1024x128xf32>
    %select_n3A_1081 = arith.select %lt3A_1080, %select_n3A_1072, %select_n3A_1069 : vector<1024x128xi1>, vector<1024x128xi32>
    %min3A_1082 = arith.minimumf %min3A_1070, %min3A_1073 : vector<1024x128xf32>
    %lt3A_1083 = arith.cmpf olt, %min3A_1079, %min3A_1076 : vector<1024x128xf32>
    %select_n3A_1084 = arith.select %lt3A_1083, %select_n3A_1078, %select_n3A_1075 : vector<1024x128xi1>, vector<1024x128xi32>
    %min3A_1085 = arith.minimumf %min3A_1076, %min3A_1079 : vector<1024x128xf32>
    %lt3A_1086 = arith.cmpf olt, %min3A_1085, %min3A_1082 : vector<1024x128xf32>
    %select_n3A_1087 = arith.select %lt3A_1086, %select_n3A_1084, %select_n3A_1081 : vector<1024x128xi1>, vector<1024x128xi32>
    %min3A_1088 = arith.minimumf %min3A_1082, %min3A_1085 : vector<1024x128xf32>
    %reduce_min3A = arith.constant dense<0x7F800000> : vector<1024xf32>
    %reduce_min3A_1089 = vector.multi_reduction <minimumf>, %min3A_1088, %reduce_min3A [1] : vector<1024x128xf32> to vector<1024xf32>
    %iota3A = tpu.iota {dimensions = array<i32: 1>} : vector<1024x128xi32>
    %mul3A_1090 = arith.constant 128 : i32
    %mul3A_1091 = vector.broadcast %mul3A_1090 : i32 to vector<1024x128xi32>
    %mul3A_1092 = arith.muli %select_n3A_1087, %mul3A_1091 : vector<1024x128xi32>
    %add3A_1093 = arith.addi %mul3A_1092, %iota3A : vector<1024x128xi32>
    %broadcast_in_dim3A_1094 = vector.shape_cast %reduce_min3A_1089 : vector<1024xf32> to vector<1024x1xf32>
    %eq3A_1095 = vector.broadcast %broadcast_in_dim3A_1094 : vector<1024x1xf32> to vector<1024x128xf32>
    %eq3A_1096 = arith.cmpf oeq, %min3A_1088, %eq3A_1095 : vector<1024x128xf32>
    %jit3A_1097 = arith.constant 1073741824 : i32
    %broadcast_in_dim3A_1098 = vector.broadcast %jit3A_1097 : i32 to vector<1024x128xi32>
    %select_n3A_1099 = arith.select %eq3A_1096, %add3A_1093, %broadcast_in_dim3A_1098 : vector<1024x128xi1>, vector<1024x128xi32>
    %reduce_min3A_1100 = arith.constant dense<2147483647> : vector<1024xi32>
    %reduce_min3A_1101 = vector.multi_reduction <minsi>, %select_n3A_1099, %reduce_min3A_1100 [1] : vector<1024x128xi32> to vector<1024xi32>
    %swap3A = arith.constant 0 : index
    %swap3A_1102 = vector.load %arg5[%swap3A] : memref<1024xi32, #tpu.memory_space<vmem>>, vector<1024xi32>
    tpu.vector_store %arg5[%swap3A], %reduce_min3A_1101 {strides = array<i32>} : memref<1024xi32, #tpu.memory_space<vmem>>, vector<1024xi32>,
    %reduce_sum3A_1103 = vector.shape_cast %reduce_min3A_1089 : vector<1024xf32> to vector<1x1024xf32>
    %reduce_sum3A_1104 = arith.constant dense<0.000000e+00> : vector<1xf32>
    %reduce_sum3A_1105 = vector.multi_reduction <add>, %reduce_sum3A_1103, %reduce_sum3A_1104 [1] : vector<1x1024xf32> to vector<1xf32>
    %reduce_sum3A_1106 = vector.shape_cast %reduce_sum3A_1105 : vector<1xf32> to vector<1x1xf32>
    %reduce_sum3A_1107 = vector.extract %reduce_sum3A_1106[0, 0] : f32 from vector<1x1xf32>
    %eq3A_1108 = arith.constant 0 : i32
    %eq3A_1109 = arith.cmpi eq, %arg0, %eq3A_1108 : i32
    %convert_element_type3A_1110 = arith.extui %eq3A_1109 : i1 to i32
    %cond3A_1111 = arith.constant 0 : i32
    %cond3A_1112 = arith.cmpi ne, %convert_element_type3A_1110, %cond3A_1111 : i32
    scf.if %cond3A_1112 {
      %swap3A_1122 = arith.constant 0 : index
      %swap3A_1123 = memref.load %arg10[%swap3A_1122] : memref<1xf32, #tpu.memory_space<smem>>
      memref.store %reduce_sum3A_1107, %arg10[%swap3A_1122] : memref<1xf32, #tpu.memory_space<smem>>
    } else {
    }
    %gt3A = arith.constant 0 : i32
    %gt3A_1113 = arith.cmpi sgt, %arg0, %gt3A : i32
    %convert_element_type3A_1114 = arith.extui %gt3A_1113 : i1 to i32
    %cond3A_1115 = arith.constant 0 : i32
    %cond3A_1116 = arith.cmpi ne, %convert_element_type3A_1114, %cond3A_1115 : i32
    scf.if %cond3A_1116 {
      %get3A_1122 = arith.constant 0 : index
      %get3A_1123 = memref.load %arg10[%get3A_1122] : memref<1xf32, #tpu.memory_space<smem>>
      %add3A_1124 = arith.addf %get3A_1123, %reduce_sum3A_1107 : f32
      %swap3A_1125 = arith.constant 0 : index
      %swap3A_1126 = memref.load %arg10[%swap3A_1125] : memref<1xf32, #tpu.memory_space<smem>>
      memref.store %add3A_1124, %arg10[%swap3A_1125] : memref<1xf32, #tpu.memory_space<smem>>
    } else {
    }
    %eq3A_1117 = arith.constant 15 : i32
    %eq3A_1118 = arith.cmpi eq, %arg0, %eq3A_1117 : i32
    %convert_element_type3A_1119 = arith.extui %eq3A_1118 : i1 to i32
    %cond3A_1120 = arith.constant 0 : i32
    %cond3A_1121 = arith.cmpi ne, %convert_element_type3A_1119, %cond3A_1120 : i32
    scf.if %cond3A_1121 {
      %get3A_1122 = arith.constant 0 : index
      %get3A_1123 = memref.load %arg10[%get3A_1122] : memref<1xf32, #tpu.memory_space<smem>>
      %mul3A_1124 = arith.constant 1.250000e+00 : f32
      %mul3A_1125 = arith.mulf %mul3A_1124, %get3A_1123 : f32
      %div3A = arith.constant 0x49800000 : f32
      %div3A_1126 = arith.divf %mul3A_1125, %div3A : f32
      %swap3A_1127 = arith.constant 0 : index
      %swap3A_1128 = arith.constant 0 : index
      %swap3A_1129 = memref.load %arg6[%swap3A_1127, %swap3A_1128] : memref<1x1xf32, #tpu.memory_space<smem>>
      memref.store %div3A_1126, %arg6[%swap3A_1127, %swap3A_1128] : memref<1x1xf32, #tpu.memory_space<smem>>
    } else {
    }
    return
  }
  func.func @transform_0(%arg0: i32) -> (i32, i32) {
    %c0_i32 = arith.constant 0 : i32
    %c0_i32_0 = arith.constant 0 : i32
    return %arg0, %c0_i32 : i32, i32
  }
  func.func @transform_1(%arg0: i32) -> (i32, i32) {
    %c0_i32 = arith.constant 0 : i32
    %c0_i32_0 = arith.constant 0 : i32
    %c0_i32_1 = arith.constant 0 : i32
    return %c0_i32, %c0_i32_0 : i32, i32
  }
  func.func @transform_2(%arg0: i32) -> (i32, i32) {
    %c0_i32 = arith.constant 0 : i32
    %c0_i32_0 = arith.constant 0 : i32
    %c0_i32_1 = arith.constant 0 : i32
    return %c0_i32, %c0_i32_0 : i32, i32
  }
  func.func @transform_3(%arg0: i32) -> (i32, i32) {
    %c0_i32 = arith.constant 0 : i32
    %c0_i32_0 = arith.constant 0 : i32
    %c0_i32_1 = arith.constant 0 : i32
    return %c0_i32, %c0_i32_0 : i32, i32
  }
  func.func @transform_4(%arg0: i32) -> i32 {
    %c0_i32 = arith.constant 0 : i32
    return %arg0 : i32
  }
  func.func @transform_5(%arg0: i32) -> (i32, i32) {
    %c0_i32 = arith.constant 0 : i32
    %c0_i32_0 = arith.constant 0 : i32
    %c0_i32_1 = arith.constant 0 : i32
    return %c0_i32, %c0_i32_0 : i32, i32
  }
  func.func @transform_6(%arg0: i32) -> (i32, i32) {
    %c0_i32 = arith.constant 0 : i32
    %c0_i32_0 = arith.constant 0 : i32
    %c0_i32_1 = arith.constant 0 : i32
    return %c0_i32, %c0_i32_0 : i32, i32
  }
}

module attributes {stable_mosaic.version = 14 : i64} {
  func.func @_perp_body(%arg0: memref<16384xi32, #tpu.memory_space<vmem>>, %arg1: memref<1x1xf32, #tpu.memory_space<smem>>) attributes {dimension_semantics = [], scalar_prefetch = 0 : i64, scratch_operands = 0 : i64, tpu.core_type = #tpu.core_type<tc>} {
    %get3A = arith.constant 0 : index
    %get3A_0 = vector.load %arg0[%get3A] : memref<16384xi32, #tpu.memory_space<vmem>>, vector<8192xi32>
    %get3A_1 = arith.constant 8192 : index
    %get3A_2 = vector.load %arg0[%get3A_1] : memref<16384xi32, #tpu.memory_space<vmem>>, vector<8192xi32>
    %add3A = arith.addi %get3A_0, %get3A_2 : vector<8192xi32>
    %convert_element_type3A = arith.sitofp %add3A : vector<8192xi32> to vector<8192xf32>
    %mul3A = arith.constant 6.10351563E-5 : f32
    %mul3A_3 = vector.broadcast %mul3A : f32 to vector<8192xf32>
    %mul3A_4 = arith.mulf %convert_element_type3A, %mul3A_3 : vector<8192xf32>
    %add3A_5 = arith.constant 9.99999993E-9 : f32
    %add3A_6 = vector.broadcast %add3A_5 : f32 to vector<8192xf32>
    %add3A_7 = arith.addf %mul3A_4, %add3A_6 : vector<8192xf32>
    %log3A = math.log %add3A_7 : vector<8192xf32>
    %mul3A_8 = arith.mulf %mul3A_4, %log3A : vector<8192xf32>
    %reduce_sum3A = vector.shape_cast %mul3A_8 : vector<8192xf32> to vector<1x8192xf32>
    %reduce_sum3A_9 = arith.constant dense<0.000000e+00> : vector<1xf32>
    %reduce_sum3A_10 = vector.multi_reduction <add>, %reduce_sum3A, %reduce_sum3A_9 [1] : vector<1x8192xf32> to vector<1xf32>
    %reduce_sum3A_11 = vector.shape_cast %reduce_sum3A_10 : vector<1xf32> to vector<1x1xf32>
    %reduce_sum3A_12 = vector.extract %reduce_sum3A_11[0, 0] : f32 from vector<1x1xf32>
    %neg3A = arith.constant 0.000000e+00 : f32
    %neg3A_13 = arith.subf %neg3A, %reduce_sum3A_12 : f32
    %exp3A = math.exp %neg3A_13 : f32
    %swap3A = arith.constant 0 : index
    %swap3A_14 = arith.constant 0 : index
    %swap3A_15 = memref.load %arg1[%swap3A, %swap3A_14] : memref<1x1xf32, #tpu.memory_space<smem>>
    memref.store %exp3A, %arg1[%swap3A, %swap3A_14] : memref<1x1xf32, #tpu.memory_space<smem>>
    return
  }
}

</mosaic_0001>

<sc_bundles>
// kernel: kernel.5.cloned.1.call-start
scs
__scs_entry_jumppad:
0x0: {  	(pc) =	sbr.rel $0x88, $3  }
0x1: {  	(tag) =	ssettag $0x0;
	lr =	simm.s32 $0x1  }
0x2: {  	[smem:$0x3F9D] =	sst lr;
	_ =	strace $0xD0000000  }
0x3: {  	_ = 	snop  }
0x4: {  	_ = 	snop  }
0x5: {  	_ = 	snop  }
0x6: {  	_ = 	snop  }
0x7: {  	_ = 	snop  }
__scs_overlays_trampoline_lowered:
0x8: {  	[smem:$0x3FAC] =	sst s0  }
0x9: {  	[smem:$0x3FAD] =	sst s1  }
0xa: {  	[smem:$0x3FAE] =	sst s2  }
0xb: {  	[smem:$0x3FAF] =	sst s3  }
0xc: {  	[smem:$0x3FB0] =	sst s4  }
0xd: {  	[smem:$0x3FB1] =	sst s5  }
0xe: {  	[smem:$0x3FB2] =	sst s6  }
0xf: {  	[smem:$0x3FB3] =	sst s7  }
0x10: {  	[smem:$0x3FB4] =	sst s8  }
0x11: {  	[smem:$0x3FB5] =	sst s9;
	s0 =	simm.s32 @!p0 $0x0  }
0x12: {  	s1 =	sld [smem:$0x3F9B];
	s0 =	simm.s32 @p0 $0x1  }
0x13: {  	[smem:$0x3FB6] =	sst s0;
	s0 =	simm.s32 @!p1 $0x0  }
0x14: {  	s2 =	sld [smem:$0x3F9A];
	s0 =	simm.s32 @p1 $0x1  }
0x15: {  	[smem:$0x3FB7] =	sst s0;
	s0 =	simm.s32 @!p2 $0x0  }
0x16: {  	s3 =	sld [smem:$0x3FDB];
	s0 =	simm.s32 @p2 $0x1  }
0x17: {  	s4 =	simm.s32 $0x1BF5;
	[smem:$0x3FB9] =	sst s0  }
0x18: {  	s0 =	sld [smem:$0x3F9C];
	_ =	swait.ge [sflag:s4], $0x0  }
0x19: {  	s7 =	sld [smem:$0x3F9D]  }
0x1a: {  	s8 =	sadd.s32 $0xFFFFE003, lr  }
0x1b: {  	s9 =	sadd.s32 $0xFFFFFEF7, lr;
	s5 =	simm.s32 $0xFFFFFFFF;
	p2 =	slt.u32 s8, $0xFFFFF086  }
0x1c: {  	p1 =	slt.u32 s9, $0xF7A;
	s5 =	simm.s32 @!p2 $0x0  }
0x1d: {  	s5 =	simm.s32 @p1 $0x1;
	p0 =	seq.s32 s7, s2  }
0x1e: {  	s7 =	smul.u32 @!p0 $0xF7A, s2;
	p2 =	seq.s32 @!p0 s5, $0x0  }
0x1f: {  	s9 =	smul.u32 $0xF7A, s1;
	s8 =	simm.s32 @!p0 $0x1BF5;
	p2 =	por !p2, p0  }
0x20: {  	[sflag:s8] =	ssyncset.s32 @!p0 $0xFFFFF086;
	s6 =	sadd.s32 @!p0 s3, s7;
	s7 =	simm.s32 @!p0 $0x108  }
0x21: {  	s3 =	sadd.s32 s3, s9;
	s6 =	sadd.s32 @!p0 $0x88, s6;
	s7 =	simm.s32 @p2 $0x1082  }
0x22: {  	[simem:s7], [sflag:s8] =	dma.local @!p0 [hbm:s6], $0xF7A  }
0x23: {  	s9 =	sor.u32 $0xD0000000, s2;
	s6 =	simm.s32 $0x108;
	_ =	swait.ge @!p0 [sflag:s8], $0x0  }
0x24: {  	s3 =	sadd.s32 $0x88, s3;
	s6 =	simm.s32 @!p1 $0x1082;
	[sflag:s4] =	ssyncset.s32 $0xFFFFF086  }
0x25: {  	[simem:s6], [sflag:s4] =	dma.local [hbm:s3], $0xF7A  }
0x26: {  	[smem:$0x3F9D] =	sst s1;
	(tag) =	ssettag s2;
	_ =	strace s9  }
0x27: {  	s1 =	sld [smem:$0x3FAD]  }
0x28: {  	s2 =	sld [smem:$0x3FAE]  }
0x29: {  	s4 =	sld [smem:$0x3FB0]  }
0x2a: {  	p0 =	seq.s32 s5, $0x0;
	s5 =	sld [smem:$0x3FB1]  }
0x2b: {  	s6 =	sld [smem:$0x3FB2]  }
0x2c: {  	s7 =	sld [smem:$0x3FB3]  }
0x2d: {  	s3 =	simm.s32 $0x108;
	s8 =	sld [smem:$0x3FB4]  }
0x2e: {  	s3 =	simm.s32 @!p0 $0x1082;
	s9 =	sld [smem:$0x3FB5]  }
0x2f: {  	lr =	sadd.s32 s0, s3;
	s0 =	sld [smem:$0x3FAC]  }
0x30: {  	s3 =	sld [smem:$0x3FAF]  }
0x31: {  	[smem:$0x3FB8] =	sst s10  }
0x32: {  	s10 =	sld [smem:$0x3FB6];
	_ =	sdelay $0x3  }
0x33: {  	p0 =	seq.s32 s10, $0x1;
	s10 =	sld [smem:$0x3FB8];
	_ =	sdelay $0x3  }
0x34: {  	[smem:$0x3FB8] =	sst s10  }
0x35: {  	s10 =	sld [smem:$0x3FB7];
	_ =	sdelay $0x3  }
0x36: {  	p1 =	seq.s32 s10, $0x1;
	s10 =	sld [smem:$0x3FB8];
	_ =	sdelay $0x3  }
0x37: {  	[smem:$0x3FB8] =	sst s10  }
0x38: {  	s10 =	sld [smem:$0x3FB9]  }
0x39: {  	_ = 	snop;
	(pc) =	sbr.ind lr, $3  }
0x3a: {  	_ = 	snop  }
0x3b: {  	_ = 	snop  }
0x3c: {  	p2 =	seq.s32 s10, $0x1;
	s10 =	sld [smem:$0x3FB8]  }
0x3d: {  	_ =	shalt  }
0x3e: {  	_ =	shalt  }
0x3f: {  	_ =	shalt  }
0x40: {  	_ =	shalt  }
0x41: {  	_ =	shalt  }
0x42: {  	_ =	shalt  }
0x43: {  	_ =	shalt  }
0x44: {  	_ =	shalt  }
0x45: {  	_ =	shalt  }
0x46: {  	_ =	shalt  }
0x47: {  	_ =	shalt  }
0x48: {  	_ =	shalt  }
0x49: {  	_ =	shalt  }
0x4a: {  	_ =	shalt  }
0x4b: {  	_ =	shalt  }
0x4c: {  	_ =	shalt  }
0x4d: {  	_ =	shalt  }
0x4e: {  	_ =	shalt  }
0x4f: {  	_ =	shalt  }
0x50: {  	_ =	shalt  }
0x51: {  	_ =	shalt  }
0x52: {  	_ =	shalt  }
0x53: {  	_ =	shalt  }
0x54: {  	_ =	shalt  }
0x55: {  	_ =	shalt  }
0x56: {  	_ =	shalt  }
0x57: {  	_ =	shalt  }
0x58: {  	_ =	shalt  }
0x59: {  	_ =	shalt  }
0x5a: {  	_ =	shalt  }
0x5b: {  	_ =	shalt  }
0x5c: {  	_ =	shalt  }
0x5d: {  	_ =	shalt  }
0x5e: {  	_ =	shalt  }
0x5f: {  	_ =	shalt  }
0x60: {  	_ =	shalt  }
0x61: {  	_ =	shalt  }
0x62: {  	_ =	shalt  }
0x63: {  	_ =	shalt  }
0x64: {  	_ =	shalt  }
0x65: {  	_ =	shalt  }
0x66: {  	_ =	shalt  }
0x67: {  	_ =	shalt  }
0x68: {  	_ =	shalt  }
0x69: {  	_ =	shalt  }
0x6a: {  	_ =	shalt  }
0x6b: {  	_ =	shalt  }
0x6c: {  	_ =	shalt  }
0x6d: {  	_ =	shalt  }
0x6e: {  	_ =	shalt  }
0x6f: {  	_ =	shalt  }
0x70: {  	_ =	shalt  }
0x71: {  	_ =	shalt  }
0x72: {  	_ =	shalt  }
0x73: {  	_ =	shalt  }
0x74: {  	_ =	shalt  }
0x75: {  	_ =	shalt  }
0x76: {  	_ =	shalt  }
0x77: {  	_ =	shalt  }
0x78: {  	_ =	shalt  }
0x79: {  	_ =	shalt  }
0x7a: {  	_ =	shalt  }
0x7b: {  	_ =	shalt  }
0x7c: {  	_ =	shalt  }
0x7d: {  	_ =	shalt  }
0x7e: {  	_ =	shalt  }
0x7f: {  	_ =	shalt  }
0x80: {  	_ =	shalt  }
0x81: {  	_ =	shalt  }
0x82: {  	_ =	shalt  }
0x83: {  	_ =	shalt  }
0x84: {  	_ =	shalt  }
0x85: {  	_ =	shalt  }
0x86: {  	_ =	shalt  }
0x87: {  	_ =	shalt  }
.Lfunc_end0:
.L_simem_size_0:
called_computation_lowered:
.L_overlay_start_0:
0x88: {  	s2 =	sld [smem:$0x3FD9]  }
0x89: {  	s3 =	sld [smem:$0x3FFE];
	_ =	sdelay $0x1  }
0x8a: {  	s1 =	srdreg.scid  }
0x8b: {  	s0 =	sand.u32 $0x1, s1  }
0x8c: {  	s14 =	sshll.u32 s0, $0xA;
	s2 =	sadd.s32 s3, s2  }
0x8d: {  	s2 =	sadd.s32 s2, s14  }
0x8e: {  	[smem:$0x3FC4] =	sst s2  }
0x8f: {  	_ = 	snop  }
0x90: {  	s2 =	sld [smem:$0x3FD0];
	_ =	sdelay $0x2  }
0x91: {  	s15 =	simm.s32 $0xA;
	s4 =	simm.s32 $0x10  }
0x92: {  	[smem:s4], [sflag:s15] =	dma.local [hbm:s2], $0x1  }
0x93: {  	_ =	swait.eq [sflag:s15], $0x1  }
0x94: {  	[sflag:s15] =	ssyncset.done $0x0  }
0x95: {  	[sflag:s15] =	ssyncadd.s32 $0xFFFFFFFF  }
0x96: {  	s16 =	sld [smem:$0x10];
	(tm) =	ssettm $0x1  }
0x97: {  	s17 =	sld [smem:$0x3FFB];
	_ =	sdelay $0x3  }
0x98: {  	_ =	strace s17  }
0x99: {  	s3 =	sld [smem:$0x3FFC];
	_ =	sdelay $0x3  }
0x9a: {  	_ =	strace s3  }
0x9b: {  	s3 =	sld [smem:$0x3FFD];
	_ =	sdelay $0x3  }
0x9c: {  	_ =	strace s3  }
0x9d: {  	_ =	strace $0x8FFFFFFF  }
0x9e: {  	s18 =	sld [smem:$0x3FDB];
	_ =	sdelay $0x1  }
0x9f: {  	s19 =	simm.s32 $_scs_section_size  }
0xa0: {  	s5 =	simm.s32 $_size__tile_overlayer_lowered;
	s6 =	simm.s32 $_tile_overlayer_lowered  }
0xa1: {  	s22 =	simm.s32 $0x1BFF;
	s21 =	sshll.u32 s6, $0x1;
	s3 =	sadd.s32 s19, s18  }
0xa2: {  	s7 =	simm.s32 $0x0;
	s20 =	sshll.u32 s5, $0x1;
	s5 =	sadd.s32 s21, s3  }
0xa3: {  	[timem:s7], [sflag:s22] =	dma.local [hbm:s5], s20  }
0xa4: {  	_ =	swait.ge [sflag:s22], s20  }
0xa5: {  	s4 =	ssub.s32 $0x0, s20;
	[sflag:s22] =	ssyncset.done $0x0  }
0xa6: {  	[sflag:s22] =	ssyncadd.s32 s4;
	_ =	sdelay $0x1  }
0xa7: {  	s23 =	simm.s32 $0x1B8B  }
0xa8: {  	_ =	swait.ge [sflag:s23], $0x1  }
0xa9: {  	[sflag:s23] =	ssyncset.done $0x0  }
0xaa: {  	s25 =	simm.s32 $0x1B8E;
	s24 =	sld [smem:$0x3FFE];
	[sflag:s23] =	ssyncadd.s32 $0xFFFFFFFF  }
0xab: {  	s26 =	simm.s32 $execute0_lowered;
	[smem:$0x3FD2] =	sst s25  }
0xac: {  	s5 =	sshll.u32 s26, $0x1;
	_ =	strace $0x80000046;
	[dreg:$0x1] =	wrdreg $0xFFFFFFFF  }
0xad: {  	s28 =	simm.s32 $_size_execute0_lowered;
	s3 =	sadd.s32 s3, s5;
	[dreg:$0x0] =	wrdreg $0x0  }
0xae: {  	s5 =	sshll.u32 s28, $0x1;
	[dreg:$0x2] =	wrdreg s3  }
0xaf: {  	[dreg:$0x3] =	wrdreg s5  }
0xb0: {  	[dreg:$0x4] =	wrdreg $0xC0  }
0xb1: {  	_ =	task [dreg:s7], $0x5FFFF  }
0xb2: {  	[dreg:$0x1] =	wrdreg $0xFFFFFFFF  }
0xb3: {  	[dreg:$0x0] =	wrdreg $0x60  }
0xb4: {  	[dreg:$0x2] =	wrdreg s24  }
0xb5: {  	[dreg:$0x3] =	wrdreg s16  }
0xb6: {  	[dreg:$0x4] =	wrdreg $0x86000  }
0xb7: {  	[dreg:$0x5] =	wrdreg $0x9  }
0xb8: {  	_ =	task.clear_ibuf [dreg:s7], $0x6FFFF;
	_ =	strace $0x90000046  }
0xb9: {  	s29 =	simm.s32 $0x9;
	_ =	strace $0x80000048  }
0xba: {  	_ =	swait.ge [sflag:s29], $0x1  }
0xbb: {  	[sflag:s29] =	ssyncadd.s32 $0xFFFFFFFF  }
0xbc: {  	_ =	strace $0x90000048  }
0xbd: {  	_ =	sfence  }
0xbe: {  	s30 =	sld [smem:$0x0];
	_ =	sdelay $0x2  }
0xbf: {  	s31 =	sshll.u32 s1, $0xD;
	s1 =	sshrl.u32 s1, $0x2  }
0xc0: {  	s3 =	sand.u32 $0x4000, s31;
	s1 =	sadd.s32 s1, s30  }
0xc1: {  	s0 =	sor.u32 s3, s0;
	s1 =	sshll.u32 s1, $0x11  }
0xc2: {  	s0 =	sor.u32 s1, s0  }
0xc3: {  	s0 =	sadd.s32 $0x8F2B, s0  }
0xc4: {  	[sflag:s0] =	ssyncadd.remote.s32 $0x1  }
0xc5: {  	_ =	sfence.sel $0xFFFF  }
0xc6: {  	[dreg:$0x0] =	wrdreg $0xFFFFFFFF;
	(pc) =	sbr.abs _section_cstart, $3  }
0xc7: {  	[dreg:$0x1] =	wrdreg $0xFFFFFFFF  }
0xc8: {  	_ =	task.clear_ibuf [dreg:s7], $0x2FFFF;
	_ =	strace $0x9FFFFFFF  }
0xc9: {  	(tm) =	ssettm $0x7FFFFFFF  }
tec
execute0_lowered:
.L_overlay_start_1:
0x0: {  	(tag) =	ssettag $0x1  }
0x1: {  	s5 =	rddreg [dreg:$0x0]  }
0x2: {  	s6 =	rddreg [dreg:$0x1]  }
0x3: {  	s2 =	rddreg [dreg:$0x2]  }
0x4: {  	s0 =	rddreg [dreg:$0x3]  }
0x5: {  	s4 =	srdreg.scid;
	s3 =	simm.s32 $0x0;
	s1 =	stileid.u32  }
0x6: {  	s12 =	simm.s32 $0x1;
	s13 =	simm.s32 $0x8200;
	s14 =	simm.s32 $0x8400  }
0x7: {  	s15 =	simm.s32 $0x0;
	s7 =	sand.u32 $0x1, s4;
	[smem:$0x7FF] =	sst s3  }
0x8: {  	s8 =	sshll.u32 s1, $0x9;
	s4 =	sshll.u32 s7, $0xD;
	_ =	strace $0x80000047  }
0x9: {  	s7 =	ssub.s32 $0x2, s7;
	s9 =	sor.u32 s8, s4;
	s4 =	sadd.s32 $0x1C00, s5  }
0xa: {  	s31 =	sshrl.u32 s7, $0x1;
	s10 =	sshrl.u32 s9, $0x3;
	s9 =	sshll.u32 s9, $0x3  }
0xb: {  	s11 =	ssub.s32 s7, s31;
	s7 =	sadd.s32 s8, s2;
	s10 =	sadd.s32 s10, s5  }
0xc: {  	s6 =	sadd.s32 s6, s9;
	s9 =	smax.u32 s11, $0x1;
	s11 =	simm.s32 $0x200  }
0xd: {  	v0 =	vimm.s32 $0x1;
	v1 =	vimm.s32 $0x0;
	s5 =	sadd.s32 $0x1400, s10;
	s8 =	sadd.s32 $0x11C00, s10;
	s10 =	simm.s32 $0x2  }
.LBB2_1:
0xe: {  	[tilespmem:s3], [sflag:$0x2] =	stream.linear.gather [hbm4b:s5+s3], $0x200, $0x38;
	[tilespmem:$0x8800] =	vst v63  }
0xf: {  	_ =	swait.ge [sflag:s10], $0x200  }
0x10: {  	[sflag:s10] =	ssyncset.done $0x0  }
0x11: {  	[sflag:s10] =	ssyncadd.s32 $0xFFFFFE00  }
0x12: {  	[tilespmem:s11], [sflag:$0x1] =	stream.indirect.gather [hbm4b:s4+s11], $0x40, s3, s11, $0xb8;
	[tilespmem:$0x8800] =	vst v63  }
0x13: {  	_ =	swait.ge [sflag:s12], $0x8000  }
0x14: {  	[sflag:s12] =	ssyncset.done $0x0  }
0x15: {  	[sflag:s12] =	ssyncadd.s32 $0xFFFF8000  }
0x16: {  	[hbm4b:s6+s3] =	stream.linear.scatter [tilespmem:s11], [sflag:$0x2], $0x8000, $0x38;
	[tilespmem:$0x8800] =	vst v63  }
0x17: {  	_ =	swait.ge [sflag:s10], $0x8000  }
0x18: {  	[sflag:s10] =	ssyncset.done $0x0  }
0x19: {  	s16 =	simm.s32 $0x40;
	s17 =	simm.s32 $0x0;
	[sflag:s10] =	ssyncadd.s32 $0xFFFF8000  }
.LBB2_2:
0x1a: {  	p0 =	sne.s32 s16, $0x7C0;
	[tilespmem:s17+$0x8400] =	vst v0;
	s18 =	smov.u32 s16;
	s16 =	sadd.s32 $0x40, s16  }
.Ltmp0:
0x1b: {  	[tilespmem:s17+$0x8200] =	vst v1;
	(pc) =	sbr.rel @p0 .LBB2_2-.Ltmp0, $2  }
0x1c: {  	_ =	sdelay $0x2  }
0x1d: {  	s17 =	sshra.s32 s18, $0x2  }
0x1e: {  	[tilespmem:s17+$0x8400] =	vst v0  }
0x1f: {  	[tilespmem:s17+$0x8200] =	vst v1  }
0x20: {  	[spmem:s7] =	stream.linear.scatter [tilespmem:s13], [sflag:$0x2], $0x200, $0x38;
	[tilespmem:$0x8800] =	vst v63  }
0x21: {  	_ =	swait.ge [sflag:s10], $0x200  }
0x22: {  	[sflag:s10] =	ssyncset.done $0x0  }
0x23: {  	[sflag:s10] =	ssyncadd.s32 $0xFFFFFE00  }
0x24: {  	[bflag:$0x0] =	sbarrier.arrive $0xFFFF  }
0x25: {  	[spmem:s2] =	stream.indirect.scatter.add.s32 [tilespmem:s14], [sflag:$0x2], $0x1, s3, s11, $0xb8;
	[tilespmem:$0x8800] =	vst v63  }
0x26: {  	_ =	swait.ge [sflag:s10], $0x200  }
0x27: {  	[sflag:s10] =	ssyncset.done $0x0  }
0x28: {  	[sflag:s10] =	ssyncadd.s32 $0xFFFFFE00  }
0x29: {  	[bflag:$0x0] =	sbarrier.arrive $0xFFFF  }
0x2a: {  	[tilespmem:s13], [sflag:$0x2] =	stream.linear.gather [spmem:s7], $0x200, $0x38;
	[tilespmem:$0x8800] =	vst v63  }
0x2b: {  	s15 =	sadd.s32 $0x1, s15;
	_ =	swait.ge [sflag:s10], $0x200  }
0x2c: {  	p0 =	sne.s32 s15, s9;
	[sflag:s10] =	ssyncset.done $0x0  }
.Ltmp1:
0x2d: {  	[sflag:s10] =	ssyncadd.s32 $0xFFFFFE00;
	(pc) =	sbr.rel @p0 .LBB2_1-.Ltmp1, $4  }
0x2e: {  	[hbm4b:s8+s3] =	stream.linear.scatter [tilespmem:s13], [sflag:$0x2], $0x200, $0x38;
	[tilespmem:$0x8800] =	vst v63  }
0x2f: {  	_ =	swait.ge [sflag:s10], $0x200  }
0x30: {  	[sflag:s10] =	ssyncset.done $0x0  }
0x31: {  	[sflag:s10] =	ssyncadd.s32 $0xFFFFFE00  }
0x32: {  	_ =	sfence.sel $0x180000  }
0x33: {  	[bflag:$0x0] =	sbarrier.arrive $0xFFFF  }
0x34: {  	p0 =	sne.s32 s1, $0x0;
	_ =	strace $0x90000047  }
0x35: {  	s0 =	sadd.s32 @!p0 $0x100000, s0;
	[bflag:$0x2] =	sbarrier.arrive $0xFFFF  }
0x36: {  	[sflag:s0] =	ssyncadd.tile.s32 @!p0 $0x1;
	_ =	shalt  }
.Lfunc_end2:
_tile_overlayer_lowered:
.L_overlay_start_2:
0x37: {  	(tag) =	ssettag $0x2  }
0x38: {  	s0 =	rddreg [dreg:$0x0];
	s2 =	stileid.u32  }
0x39: {  	s1 =	rddreg [dreg:$0x1];
	p0 =	sne.s32 s2, $0x0  }
0x3a: {  	s3 =	rddreg [dreg:$0x2];
	[bflag:$0x3] =	sbarrier.arrive $0xFFFF;
	s2 =	simm.s32 @!p0 $0x1C02  }
0x3b: {  	[timem:s3], [sflag:s2] =	dma.local @!p0 [hbm:s0], s1  }
0x3c: {  	s0 =	simm.s32 @!p0 $0x2  }
0x3d: {  	_ =	swait.ge @!p0 [sflag:s0], s1  }
0x3e: {  	s1 =	ssub.s32 @!p0 $0x0, s1;
	[sflag:s0] =	ssyncset.done @!p0 $0x0  }
0x3f: {  	[sflag:s0] =	ssyncadd.s32 @!p0 s1  }
0x40: {  	[bflag:$0x3] =	sbarrier.arrive $0xFFFF  }
0x41: {  	_ =	shalt  }

</sc_bundles>
